<compile_context>
chip_gen: v7x
topology: tpu7x:2x2x1
jax: 0.10.2.dev20260603
libtpu: 0.0.44.dev20260713+nightly
codegen_flags: <defaults>
</compile_context>

<pallas_src>
import functools

import jax
import jax.numpy as jnp
from jax import lax
from jax.experimental import pallas as pl
from jax.experimental.pallas import tpu as pltpu
from jax.experimental.pallas import tpu_sc as plsc

_N_ATOMS = 1_000_000
_N_MOL = 10_000
_W = 4096
_NW = 32
_NFULL = _N_ATOMS // _W
_TAIL_START = _NFULL * _W
_TAIL = _N_ATOMS - _TAIL_START
_WPW = -(-_NFULL // _NW)
_NBUF = 3
_BLK = 262144
_GRID = -(-_N_ATOMS // _BLK)


def _tc_err(fp_t, ft_t):

    def body(fp_ref, ft_ref, err_ref):
        d = fp_ref[...] - ft_ref[...]
        err_ref[...] = jnp.sum(d * d, axis=0, keepdims=True)

    return pl.pallas_call(
        body,
        grid=(_GRID,),
        in_specs=[
            pl.BlockSpec((3, _BLK), lambda i: (0, i)),
            pl.BlockSpec((3, _BLK), lambda i: (0, i)),
        ],
        out_specs=pl.BlockSpec((1, _BLK), lambda i: (0, i)),
        out_shape=jax.ShapeDtypeStruct((1, _N_ATOMS), jnp.float32),
    )(fp_t, ft_t)


def _sc_segsum(err_flat, ids):
    mesh = plsc.VectorSubcoreMesh(core_axis_name="c", subcore_axis_name="s")

    vmem_sets = []
    for _ in range(_NBUF):
        vmem_sets += [
            pltpu.VMEM((_W,), jnp.float32),
            pltpu.VMEM((_W,), jnp.int32),
        ]

    @functools.partial(
        pl.kernel,
        out_type=jax.ShapeDtypeStruct((2, _N_MOL), jnp.float32),
        mesh=mesh,
        compiler_params=pltpu.CompilerParams(needs_layout_passes=False),
        scratch_types=vmem_sets + [
            pltpu.VMEM((_N_MOL,), jnp.float32),
            pltpu.VMEM_SHARED((_N_MOL,), jnp.float32),
        ] + [pltpu.SemaphoreType.DMA] * (2 * _NBUF),
    )
    def seg_kernel(err_hbm, ids_hbm, out_hbm, *refs):
        bufs = [tuple(refs[2 * r:2 * r + 2]) for r in range(_NBUF)]
        stage = refs[2 * _NBUF]
        acc = refs[2 * _NBUF + 1]
        dsems = refs[2 * _NBUF + 2:2 * _NBUF + 2 + _NBUF]
        ssems = refs[2 * _NBUF + 2 + _NBUF:]

        cid = lax.axis_index("c")
        sid = lax.axis_index("s")
        wid = sid * 2 + cid

        @pl.when(sid == 0)
        def _init():
            zeros = jnp.zeros((16,), jnp.float32)

            def zloop(i, carry):
                stage[pl.ds(i * 16, 16)] = zeros
                return carry

            lax.fori_loop(0, _N_MOL // 16, zloop, 0)
            pltpu.sync_copy(stage, acc)

        plsc.subcore_barrier()

        def in_descs(i):
            r = i % _NBUF
            errb, idb = bufs[r]
            a0 = (wid + i * _NW) * _W
            return [
                pltpu.make_async_copy(err_hbm.at[pl.ds(a0, _W)], errb,
                                      dsems[r]),
                pltpu.make_async_copy(ids_hbm.at[pl.ds(a0, _W)], idb,
                                      dsems[r]),
            ]

        def sc_desc(i):
            r = i % _NBUF
            errb, idb = bufs[r]
            return pltpu.make_async_copy(errb, acc.at[idb], ssems[r])

        def valid(i):
            return (wid + i * _NW) < _NFULL

        descs_in = [in_descs(i) for i in range(_WPW)]
        descs_sc = [sc_desc(i) for i in range(_WPW)]

        @pl.when(valid(0))
        def _():
            for d in descs_in[0]:
                d.start()

        for i in range(_WPW):
            @pl.when(valid(i))
            def _(i=i):
                for d in descs_in[i]:
                    d.wait()

            if i >= 2:
                @pl.when(valid(i - 2))
                def _(i=i):
                    descs_sc[i - 2].wait()

            if i + 1 < _WPW:
                @pl.when(valid(i + 1))
                def _(i=i):
                    for d in descs_in[i + 1]:
                        d.start()

            @pl.when(valid(i))
            def _(i=i):
                descs_sc[i].start(add=True)

        for i in (_WPW - 2, _WPW - 1):
            @pl.when(valid(i))
            def _(i=i):
                descs_sc[i].wait()

        @pl.when(wid == _NW - 1)
        def _tail():
            errb, idb = bufs[0]
            pltpu.sync_copy(err_hbm.at[pl.ds(_TAIL_START, _TAIL)],
                            errb.at[pl.ds(0, _TAIL)])
            pltpu.sync_copy(ids_hbm.at[pl.ds(_TAIL_START, _TAIL)],
                            idb.at[pl.ds(0, _TAIL)])
            pltpu.sync_copy(errb.at[pl.ds(0, _TAIL)],
                            acc.at[idb.at[pl.ds(0, _TAIL)]], add=True)

        plsc.subcore_barrier()

        @pl.when(sid == 0)
        def _drain():
            pltpu.sync_copy(acc, stage)
            pltpu.sync_copy(stage, out_hbm.at[cid])

    return seg_kernel(err_flat, ids)


def _finish(partial, counts2d, ep2d, et2d):
    def body(p_ref, cnt_ref, ep_ref, et_ref, comb_ref, el_ref, fl_ref):
        psum = p_ref[0:1, :] + p_ref[1:2, :]
        scale = 1.0 / (3.0 * cnt_ref[...].astype(jnp.float32))
        fl = psum * scale
        el = (ep_ref[...] - et_ref[...]) ** 2
        fl_ref[...] = fl
        el_ref[...] = el
        comb_ref[0, 0] = (jnp.sum(el) + jnp.sum(fl)) / jnp.float32(_N_MOL)

    return pl.pallas_call(
        body,
        out_shape=(
            jax.ShapeDtypeStruct((1, 1), jnp.float32),
            jax.ShapeDtypeStruct((1, _N_MOL), jnp.float32),
            jax.ShapeDtypeStruct((1, _N_MOL), jnp.float32),
        ),
        out_specs=(
            pl.BlockSpec(memory_space=pltpu.SMEM),
            pl.BlockSpec(memory_space=pltpu.VMEM),
            pl.BlockSpec(memory_space=pltpu.VMEM),
        ),
    )(partial, counts2d, ep2d, et2d)


def kernel(F_predict, F_true, E_predict, E_true, atomic_subsystem_indices,
           atomic_subsystem_counts):
    err = _tc_err(F_predict.T, F_true.T).reshape(_N_ATOMS)
    partial = _sc_segsum(err, atomic_subsystem_indices)
    comb, el, fl = _finish(
        partial,
        atomic_subsystem_counts.reshape(1, _N_MOL),
        E_predict.reshape(1, _N_MOL),
        E_true.reshape(1, _N_MOL),
    )
    return comb[0, 0], el.reshape(_N_MOL), fl.reshape(_N_MOL)

# --- scband reference (transcript-rebuilt; emitter-appended) ---
"""Pipeline reference for scband-naive-energy-and-force-loss-21114059227765 (READ-ONLY COPY).

The authoritative reference and input builder live on the scoring server;
editing this copy changes nothing except your own understanding.
"""

import jax, jax.numpy as jnp
import numpy as np

N_ATOMS = 1000000
N_MOL = 10000
ENERGY_WEIGHT = 1.0
FORCE_WEIGHT = 1.0


def setup_inputs(seed: int = 0) -> dict:
    key = jax.random.key(seed)
    k1, k2, k3, k4, k5 = jax.random.split(key, 5)
    F_predict = jax.random.normal(k1, (N_ATOMS, 3), dtype=jnp.float32)
    F_true = jax.random.normal(k2, (N_ATOMS, 3), dtype=jnp.float32)
    E_predict = jax.random.normal(k3, (N_MOL,), dtype=jnp.float32)
    E_true = jax.random.normal(k4, (N_MOL,), dtype=jnp.float32)
    atomic_subsystem_indices = jnp.sort(
        jax.random.randint(k5, (N_ATOMS,), 0, N_MOL, dtype=jnp.int32))
    # counts per molecule, consistent with indices; clamp to >=1 to avoid div-by-zero
    atomic_subsystem_counts = jnp.maximum(
        jnp.bincount(atomic_subsystem_indices, length=N_MOL), 1).astype(jnp.int32)
    return {
        'F_predict': F_predict,
        'F_true': F_true,
        'E_predict': E_predict,
        'E_true': E_true,
        'atomic_subsystem_indices': atomic_subsystem_indices,
        'atomic_subsystem_counts': atomic_subsystem_counts,
    }


def reference(F_predict, F_true, E_predict, E_true,
              atomic_subsystem_indices, atomic_subsystem_counts):
    n_mol = E_predict.shape[0]
    # per-atom squared force error: ||F_pred - F_true||^2 along xyz
    F_error_per_atom = jnp.linalg.norm(F_predict - F_true, axis=1) ** 2
    # scatter_sum over molecules
    F_error_per_molecule = jax.ops.segment_sum(
        F_error_per_atom, atomic_subsystem_indices, num_segments=n_mol)
    scale = FORCE_WEIGHT / (3.0 * atomic_subsystem_counts.astype(jnp.float32))
    E_loss = ENERGY_WEIGHT * (E_predict - E_true) ** 2
    F_loss = scale * F_error_per_molecule
    combined_loss = jnp.mean(E_loss + F_loss)
    return combined_loss, E_loss, F_loss

if __name__ == "__main__":
    import jax
    _d = setup_inputs()
    print(jax.jit(kernel)(*tuple(_d.values())))

</pallas_src>

<mosaic_0001>
#map = affine_map<(d0, d1) -> (0)>
#map1 = affine_map<(d0, d1) -> (0, 0)>
module attributes {stable_mosaic.version = 14 : i64} {
  func.func @seg_kernel(%arg0: i32, %arg1: i32, %arg2: memref<1000000xf32, #tpu.memory_space<hbm>>, %arg3: memref<1000000xi32, #tpu.memory_space<hbm>>, %arg4: memref<2x10000xf32, #tpu.memory_space<hbm>>, %arg5: memref<4096xf32, #tpu.memory_space<vmem>>, %arg6: memref<4096xi32, #tpu.memory_space<vmem>>, %arg7: memref<4096xf32, #tpu.memory_space<vmem>>, %arg8: memref<4096xi32, #tpu.memory_space<vmem>>, %arg9: memref<4096xf32, #tpu.memory_space<vmem>>, %arg10: memref<4096xi32, #tpu.memory_space<vmem>>, %arg11: memref<10000xf32, #tpu.memory_space<vmem>>, %arg12: memref<10000xf32, #tpu.memory_space<vmem_shared>>, %arg13: memref<!tpu.dma_semaphore, #tpu.memory_space<semaphore_mem>>, %arg14: memref<!tpu.dma_semaphore, #tpu.memory_space<semaphore_mem>>, %arg15: memref<!tpu.dma_semaphore, #tpu.memory_space<semaphore_mem>>, %arg16: memref<!tpu.dma_semaphore, #tpu.memory_space<semaphore_mem>>, %arg17: memref<!tpu.dma_semaphore, #tpu.memory_space<semaphore_mem>>, %arg18: memref<!tpu.dma_semaphore, #tpu.memory_space<semaphore_mem>>) attributes {dimension_semantics = [#tpu.dimension_semantics<core_parallel>, #tpu.dimension_semantics<subcore_parallel>], iteration_bounds = array<i64: 2, 16>, scalar_prefetch = 0 : i64, scratch_operands = 14 : i64, tpu.core_type = #tpu.core_type<sc_vector_subcore>, window_params = [{transform_indices = #map}, {transform_indices = #map}, {transform_indices = #map1}]} {
    %mul3A = arith.constant 2 : i32
    %mul3A_0 = arith.muli %arg1, %mul3A : i32
    %add3A = arith.addi %mul3A_0, %arg0 : i32
    %eq3A = arith.constant 0 : i32
    %eq3A_1 = arith.cmpi eq, %arg1, %eq3A : i32
    %convert_element_type3A = arith.extui %eq3A_1 : i1 to i32
    %cond3A = arith.constant 0 : i32
    %cond3A_2 = arith.cmpi ne, %convert_element_type3A, %cond3A : i32
    scf.if %cond3A_2 {
      %broadcast_in_dim3A = arith.constant 0.000000e+00 : f32
      %broadcast_in_dim3A_269 = vector.broadcast %broadcast_in_dim3A : f32 to vector<16xf32>
      %scan3A = arith.constant 0 : i32
      %scan3A_270 = arith.constant 0 : i32
      %scan3A_271 = arith.constant 625 : i32
      %scan3A_272 = arith.addi %scan3A_270, %scan3A_271 : i32
      %scan3A_273 = arith.constant 1 : i32
      scf.for %scan3A_275 = %scan3A_270 to %scan3A_272 step %scan3A_273  : i32 {
        %mul3A_276 = arith.constant 16 : i32
        %mul3A_277 = arith.muli %scan3A_275, %mul3A_276 : i32
        %swap3A = arith.index_cast %mul3A_277 : i32 to index
        %swap3A_278 = tpu.vector_load %arg11[%swap3A] {strides = array<i32>} : memref<10000xf32, #tpu.memory_space<vmem>>, vector<16xf32>,
        tpu.vector_store %arg11[%swap3A], %broadcast_in_dim3A_269 {strides = array<i32>} : memref<10000xf32, #tpu.memory_space<vmem>>, vector<16xf32>,
      }
      %scan3A_274 = arith.constant 625 : i32
      "tpu.region"() ({
        %run_scoped3A = tpu.sem_alloc : memref<!tpu.dma_semaphore, #tpu.memory_space<semaphore_mem>>
        tpu.enqueue_dma source(%arg11 : memref<10000xf32, #tpu.memory_space<vmem>>) target(%arg12 : memref<10000xf32, #tpu.memory_space<vmem_shared>>) target_semaphore(%run_scoped3A : memref<!tpu.dma_semaphore, #tpu.memory_space<semaphore_mem>>)
        tpu.wait_dma2 semaphore(%run_scoped3A : memref<!tpu.dma_semaphore, #tpu.memory_space<semaphore_mem>>) src(%arg11 : memref<10000xf32, #tpu.memory_space<vmem>>) dst(%arg12 : memref<10000xf32, #tpu.memory_space<vmem_shared>>)
        tpu.yield
      }) : () -> ()
    } else {
    }
    %barrier3A = arith.constant 0 : index
    tpu.barrier barrier_id(%barrier3A)
    %add3A_3 = arith.constant 0 : i32
    %add3A_4 = arith.addi %add3A, %add3A_3 : i32
    %mul3A_5 = arith.constant 4096 : i32
    %mul3A_6 = arith.muli %add3A_4, %mul3A_5 : i32
    %add3A_7 = arith.constant 32 : i32
    %add3A_8 = arith.addi %add3A, %add3A_7 : i32
    %mul3A_9 = arith.constant 4096 : i32
    %mul3A_10 = arith.muli %add3A_8, %mul3A_9 : i32
    %add3A_11 = arith.constant 64 : i32
    %add3A_12 = arith.addi %add3A, %add3A_11 : i32
    %mul3A_13 = arith.constant 4096 : i32
    %mul3A_14 = arith.muli %add3A_12, %mul3A_13 : i32
    %add3A_15 = arith.constant 96 : i32
    %add3A_16 = arith.addi %add3A, %add3A_15 : i32
    %mul3A_17 = arith.constant 4096 : i32
    %mul3A_18 = arith.muli %add3A_16, %mul3A_17 : i32
    %add3A_19 = arith.constant 128 : i32
    %add3A_20 = arith.addi %add3A, %add3A_19 : i32
    %mul3A_21 = arith.constant 4096 : i32
    %mul3A_22 = arith.muli %add3A_20, %mul3A_21 : i32
    %add3A_23 = arith.constant 160 : i32
    %add3A_24 = arith.addi %add3A, %add3A_23 : i32
    %mul3A_25 = arith.constant 4096 : i32
    %mul3A_26 = arith.muli %add3A_24, %mul3A_25 : i32
    %add3A_27 = arith.constant 192 : i32
    %add3A_28 = arith.addi %add3A, %add3A_27 : i32
    %mul3A_29 = arith.constant 4096 : i32
    %mul3A_30 = arith.muli %add3A_28, %mul3A_29 : i32
    %add3A_31 = arith.constant 224 : i32
    %add3A_32 = arith.addi %add3A, %add3A_31 : i32
    %mul3A_33 = arith.constant 4096 : i32
    %mul3A_34 = arith.muli %add3A_32, %mul3A_33 : i32
    %add3A_35 = arith.constant 0 : i32
    %add3A_36 = arith.addi %add3A, %add3A_35 : i32
    %lt3A = arith.constant 244 : i32
    %lt3A_37 = arith.cmpi slt, %add3A_36, %lt3A : i32
    %convert_element_type3A_38 = arith.extui %lt3A_37 : i1 to i32
    %cond3A_39 = arith.constant 0 : i32
    %cond3A_40 = arith.cmpi ne, %convert_element_type3A_38, %cond3A_39 : i32
    scf.if %cond3A_40 {
      %dma_start3A = tpu.memref_slice %arg2[%mul3A_6] : memref<1000000xf32, #tpu.memory_space<hbm>> -> memref<4096xf32, #tpu.memory_space<hbm>>
      %dma_start3A_269 = tpu.memref_slice %arg2[%mul3A_6] : memref<1000000xf32, #tpu.memory_space<hbm>> -> memref<4096xf32, #tpu.memory_space<hbm>>
      tpu.enqueue_dma source(%dma_start3A_269 : memref<4096xf32, #tpu.memory_space<hbm>>) target(%arg5 : memref<4096xf32, #tpu.memory_space<vmem>>) target_semaphore(%arg13 : memref<!tpu.dma_semaphore, #tpu.memory_space<semaphore_mem>>)
      %dma_start3A_270 = tpu.memref_slice %arg3[%mul3A_6] : memref<1000000xi32, #tpu.memory_space<hbm>> -> memref<4096xi32, #tpu.memory_space<hbm>>
      %dma_start3A_271 = tpu.memref_slice %arg3[%mul3A_6] : memref<1000000xi32, #tpu.memory_space<hbm>> -> memref<4096xi32, #tpu.memory_space<hbm>>
      tpu.enqueue_dma source(%dma_start3A_271 : memref<4096xi32, #tpu.memory_space<hbm>>) target(%arg6 : memref<4096xi32, #tpu.memory_space<vmem>>) target_semaphore(%arg13 : memref<!tpu.dma_semaphore, #tpu.memory_space<semaphore_mem>>)
    } else {
    }
    %add3A_41 = arith.constant 0 : i32
    %add3A_42 = arith.addi %add3A, %add3A_41 : i32
    %lt3A_43 = arith.constant 244 : i32
    %lt3A_44 = arith.cmpi slt, %add3A_42, %lt3A_43 : i32
    %convert_element_type3A_45 = arith.extui %lt3A_44 : i1 to i32
    %cond3A_46 = arith.constant 0 : i32
    %cond3A_47 = arith.cmpi ne, %convert_element_type3A_45, %cond3A_46 : i32
    scf.if %cond3A_47 {
      %dma_wait3A = tpu.memref_slice %arg2[%mul3A_6] : memref<1000000xf32, #tpu.memory_space<hbm>> -> memref<4096xf32, #tpu.memory_space<hbm>>
      %dma_wait3A_269 = tpu.memref_slice %arg2[%mul3A_6] : memref<1000000xf32, #tpu.memory_space<hbm>> -> memref<4096xf32, #tpu.memory_space<hbm>>
      tpu.wait_dma2 semaphore(%arg13 : memref<!tpu.dma_semaphore, #tpu.memory_space<semaphore_mem>>) src(%dma_wait3A_269 : memref<4096xf32, #tpu.memory_space<hbm>>) dst(%arg5 : memref<4096xf32, #tpu.memory_space<vmem>>)
      %dma_wait3A_270 = tpu.memref_slice %arg3[%mul3A_6] : memref<1000000xi32, #tpu.memory_space<hbm>> -> memref<4096xi32, #tpu.memory_space<hbm>>
      %dma_wait3A_271 = tpu.memref_slice %arg3[%mul3A_6] : memref<1000000xi32, #tpu.memory_space<hbm>> -> memref<4096xi32, #tpu.memory_space<hbm>>
      tpu.wait_dma2 semaphore(%arg13 : memref<!tpu.dma_semaphore, #tpu.memory_space<semaphore_mem>>) src(%dma_wait3A_271 : memref<4096xi32, #tpu.memory_space<hbm>>) dst(%arg6 : memref<4096xi32, #tpu.memory_space<vmem>>)
    } else {
    }
    %add3A_48 = arith.constant 32 : i32
    %add3A_49 = arith.addi %add3A, %add3A_48 : i32
    %lt3A_50 = arith.constant 244 : i32
    %lt3A_51 = arith.cmpi slt, %add3A_49, %lt3A_50 : i32
    %convert_element_type3A_52 = arith.extui %lt3A_51 : i1 to i32
    %cond3A_53 = arith.constant 0 : i32
    %cond3A_54 = arith.cmpi ne, %convert_element_type3A_52, %cond3A_53 : i32
    scf.if %cond3A_54 {
      %dma_start3A = tpu.memref_slice %arg2[%mul3A_10] : memref<1000000xf32, #tpu.memory_space<hbm>> -> memref<4096xf32, #tpu.memory_space<hbm>>
      %dma_start3A_269 = tpu.memref_slice %arg2[%mul3A_10] : memref<1000000xf32, #tpu.memory_space<hbm>> -> memref<4096xf32, #tpu.memory_space<hbm>>
      tpu.enqueue_dma source(%dma_start3A_269 : memref<4096xf32, #tpu.memory_space<hbm>>) target(%arg7 : memref<4096xf32, #tpu.memory_space<vmem>>) target_semaphore(%arg14 : memref<!tpu.dma_semaphore, #tpu.memory_space<semaphore_mem>>)
      %dma_start3A_270 = tpu.memref_slice %arg3[%mul3A_10] : memref<1000000xi32, #tpu.memory_space<hbm>> -> memref<4096xi32, #tpu.memory_space<hbm>>
      %dma_start3A_271 = tpu.memref_slice %arg3[%mul3A_10] : memref<1000000xi32, #tpu.memory_space<hbm>> -> memref<4096xi32, #tpu.memory_space<hbm>>
      tpu.enqueue_dma source(%dma_start3A_271 : memref<4096xi32, #tpu.memory_space<hbm>>) target(%arg8 : memref<4096xi32, #tpu.memory_space<vmem>>) target_semaphore(%arg14 : memref<!tpu.dma_semaphore, #tpu.memory_space<semaphore_mem>>)
    } else {
    }
    %add3A_55 = arith.constant 0 : i32
    %add3A_56 = arith.addi %add3A, %add3A_55 : i32
    %lt3A_57 = arith.constant 244 : i32
    %lt3A_58 = arith.cmpi slt, %add3A_56, %lt3A_57 : i32
    %convert_element_type3A_59 = arith.extui %lt3A_58 : i1 to i32
    %cond3A_60 = arith.constant 0 : i32
    %cond3A_61 = arith.cmpi ne, %convert_element_type3A_59, %cond3A_60 : i32
    scf.if %cond3A_61 {
      %dma_start3A = arith.constant 0 : i32
      %dma_start3A_269 = tpu.memref_slice %arg12[%dma_start3A] : memref<10000xf32, #tpu.memory_space<vmem_shared>> -> memref<10000xf32, #tpu.memory_space<vmem_shared>>
      tpu.enqueue_indirect_dma source(%arg5 : memref<4096xf32, #tpu.memory_space<vmem>>) target(%dma_start3A_269 : memref<10000xf32, #tpu.memory_space<vmem_shared>>) offsets(%arg6 : memref<4096xi32, #tpu.memory_space<vmem>>) semaphore(%arg16 : memref<!tpu.dma_semaphore, #tpu.memory_space<semaphore_mem>>) {add = true}
    } else {
    }
    %add3A_62 = arith.constant 32 : i32
    %add3A_63 = arith.addi %add3A, %add3A_62 : i32
    %lt3A_64 = arith.constant 244 : i32
    %lt3A_65 = arith.cmpi slt, %add3A_63, %lt3A_64 : i32
    %convert_element_type3A_66 = arith.extui %lt3A_65 : i1 to i32
    %cond3A_67 = arith.constant 0 : i32
    %cond3A_68 = arith.cmpi ne, %convert_element_type3A_66, %cond3A_67 : i32
    scf.if %cond3A_68 {
      %dma_wait3A = tpu.memref_slice %arg2[%mul3A_10] : memref<1000000xf32, #tpu.memory_space<hbm>> -> memref<4096xf32, #tpu.memory_space<hbm>>
      %dma_wait3A_269 = tpu.memref_slice %arg2[%mul3A_10] : memref<1000000xf32, #tpu.memory_space<hbm>> -> memref<4096xf32, #tpu.memory_space<hbm>>
      tpu.wait_dma2 semaphore(%arg14 : memref<!tpu.dma_semaphore, #tpu.memory_space<semaphore_mem>>) src(%dma_wait3A_269 : memref<4096xf32, #tpu.memory_space<hbm>>) dst(%arg7 : memref<4096xf32, #tpu.memory_space<vmem>>)
      %dma_wait3A_270 = tpu.memref_slice %arg3[%mul3A_10] : memref<1000000xi32, #tpu.memory_space<hbm>> -> memref<4096xi32, #tpu.memory_space<hbm>>
      %dma_wait3A_271 = tpu.memref_slice %arg3[%mul3A_10] : memref<1000000xi32, #tpu.memory_space<hbm>> -> memref<4096xi32, #tpu.memory_space<hbm>>
      tpu.wait_dma2 semaphore(%arg14 : memref<!tpu.dma_semaphore, #tpu.memory_space<semaphore_mem>>) src(%dma_wait3A_271 : memref<4096xi32, #tpu.memory_space<hbm>>) dst(%arg8 : memref<4096xi32, #tpu.memory_space<vmem>>)
    } else {
    }
    %add3A_69 = arith.constant 64 : i32
    %add3A_70 = arith.addi %add3A, %add3A_69 : i32
    %lt3A_71 = arith.constant 244 : i32
    %lt3A_72 = arith.cmpi slt, %add3A_70, %lt3A_71 : i32
    %convert_element_type3A_73 = arith.extui %lt3A_72 : i1 to i32
    %cond3A_74 = arith.constant 0 : i32
    %cond3A_75 = arith.cmpi ne, %convert_element_type3A_73, %cond3A_74 : i32
    scf.if %cond3A_75 {
      %dma_start3A = tpu.memref_slice %arg2[%mul3A_14] : memref<1000000xf32, #tpu.memory_space<hbm>> -> memref<4096xf32, #tpu.memory_space<hbm>>
      %dma_start3A_269 = tpu.memref_slice %arg2[%mul3A_14] : memref<1000000xf32, #tpu.memory_space<hbm>> -> memref<4096xf32, #tpu.memory_space<hbm>>
      tpu.enqueue_dma source(%dma_start3A_269 : memref<4096xf32, #tpu.memory_space<hbm>>) target(%arg9 : memref<4096xf32, #tpu.memory_space<vmem>>) target_semaphore(%arg15 : memref<!tpu.dma_semaphore, #tpu.memory_space<semaphore_mem>>)
      %dma_start3A_270 = tpu.memref_slice %arg3[%mul3A_14] : memref<1000000xi32, #tpu.memory_space<hbm>> -> memref<4096xi32, #tpu.memory_space<hbm>>
      %dma_start3A_271 = tpu.memref_slice %arg3[%mul3A_14] : memref<1000000xi32, #tpu.memory_space<hbm>> -> memref<4096xi32, #tpu.memory_space<hbm>>
      tpu.enqueue_dma source(%dma_start3A_271 : memref<4096xi32, #tpu.memory_space<hbm>>) target(%arg10 : memref<4096xi32, #tpu.memory_space<vmem>>) target_semaphore(%arg15 : memref<!tpu.dma_semaphore, #tpu.memory_space<semaphore_mem>>)
    } else {
    }
    %add3A_76 = arith.constant 32 : i32
    %add3A_77 = arith.addi %add3A, %add3A_76 : i32
    %lt3A_78 = arith.constant 244 : i32
    %lt3A_79 = arith.cmpi slt, %add3A_77, %lt3A_78 : i32
    %convert_element_type3A_80 = arith.extui %lt3A_79 : i1 to i32
    %cond3A_81 = arith.constant 0 : i32
    %cond3A_82 = arith.cmpi ne, %convert_element_type3A_80, %cond3A_81 : i32
    scf.if %cond3A_82 {
      %dma_start3A = arith.constant 0 : i32
      %dma_start3A_269 = tpu.memref_slice %arg12[%dma_start3A] : memref<10000xf32, #tpu.memory_space<vmem_shared>> -> memref<10000xf32, #tpu.memory_space<vmem_shared>>
      tpu.enqueue_indirect_dma source(%arg7 : memref<4096xf32, #tpu.memory_space<vmem>>) target(%dma_start3A_269 : memref<10000xf32, #tpu.memory_space<vmem_shared>>) offsets(%arg8 : memref<4096xi32, #tpu.memory_space<vmem>>) semaphore(%arg17 : memref<!tpu.dma_semaphore, #tpu.memory_space<semaphore_mem>>) {add = true}
    } else {
    }
    %add3A_83 = arith.constant 64 : i32
    %add3A_84 = arith.addi %add3A, %add3A_83 : i32
    %lt3A_85 = arith.constant 244 : i32
    %lt3A_86 = arith.cmpi slt, %add3A_84, %lt3A_85 : i32
    %convert_element_type3A_87 = arith.extui %lt3A_86 : i1 to i32
    %cond3A_88 = arith.constant 0 : i32
    %cond3A_89 = arith.cmpi ne, %convert_element_type3A_87, %cond3A_88 : i32
    scf.if %cond3A_89 {
      %dma_wait3A = tpu.memref_slice %arg2[%mul3A_14] : memref<1000000xf32, #tpu.memory_space<hbm>> -> memref<4096xf32, #tpu.memory_space<hbm>>
      %dma_wait3A_269 = tpu.memref_slice %arg2[%mul3A_14] : memref<1000000xf32, #tpu.memory_space<hbm>> -> memref<4096xf32, #tpu.memory_space<hbm>>
      tpu.wait_dma2 semaphore(%arg15 : memref<!tpu.dma_semaphore, #tpu.memory_space<semaphore_mem>>) src(%dma_wait3A_269 : memref<4096xf32, #tpu.memory_space<hbm>>) dst(%arg9 : memref<4096xf32, #tpu.memory_space<vmem>>)
      %dma_wait3A_270 = tpu.memref_slice %arg3[%mul3A_14] : memref<1000000xi32, #tpu.memory_space<hbm>> -> memref<4096xi32, #tpu.memory_space<hbm>>
      %dma_wait3A_271 = tpu.memref_slice %arg3[%mul3A_14] : memref<1000000xi32, #tpu.memory_space<hbm>> -> memref<4096xi32, #tpu.memory_space<hbm>>
      tpu.wait_dma2 semaphore(%arg15 : memref<!tpu.dma_semaphore, #tpu.memory_space<semaphore_mem>>) src(%dma_wait3A_271 : memref<4096xi32, #tpu.memory_space<hbm>>) dst(%arg10 : memref<4096xi32, #tpu.memory_space<vmem>>)
    } else {
    }
    %add3A_90 = arith.constant 0 : i32
    %add3A_91 = arith.addi %add3A, %add3A_90 : i32
    %lt3A_92 = arith.constant 244 : i32
    %lt3A_93 = arith.cmpi slt, %add3A_91, %lt3A_92 : i32
    %convert_element_type3A_94 = arith.extui %lt3A_93 : i1 to i32
    %cond3A_95 = arith.constant 0 : i32
    %cond3A_96 = arith.cmpi ne, %convert_element_type3A_94, %cond3A_95 : i32
    scf.if %cond3A_96 {
      %dma_wait3A = arith.constant 0 : i32
      %dma_wait3A_269 = tpu.memref_slice %arg12[%dma_wait3A] : memref<10000xf32, #tpu.memory_space<vmem_shared>> -> memref<10000xf32, #tpu.memory_space<vmem_shared>>
      tpu.wait_indirect_dma semaphore(%arg16 : memref<!tpu.dma_semaphore, #tpu.memory_space<semaphore_mem>>) src(%arg5 : memref<4096xf32, #tpu.memory_space<vmem>>) dst(%dma_wait3A_269 : memref<10000xf32, #tpu.memory_space<vmem_shared>>)
    } else {
    }
    %add3A_97 = arith.constant 96 : i32
    %add3A_98 = arith.addi %add3A, %add3A_97 : i32
    %lt3A_99 = arith.constant 244 : i32
    %lt3A_100 = arith.cmpi slt, %add3A_98, %lt3A_99 : i32
    %convert_element_type3A_101 = arith.extui %lt3A_100 : i1 to i32
    %cond3A_102 = arith.constant 0 : i32
    %cond3A_103 = arith.cmpi ne, %convert_element_type3A_101, %cond3A_102 : i32
    scf.if %cond3A_103 {
      %dma_start3A = tpu.memref_slice %arg2[%mul3A_18] : memref<1000000xf32, #tpu.memory_space<hbm>> -> memref<4096xf32, #tpu.memory_space<hbm>>
      %dma_start3A_269 = tpu.memref_slice %arg2[%mul3A_18] : memref<1000000xf32, #tpu.memory_space<hbm>> -> memref<4096xf32, #tpu.memory_space<hbm>>
      tpu.enqueue_dma source(%dma_start3A_269 : memref<4096xf32, #tpu.memory_space<hbm>>) target(%arg5 : memref<4096xf32, #tpu.memory_space<vmem>>) target_semaphore(%arg13 : memref<!tpu.dma_semaphore, #tpu.memory_space<semaphore_mem>>)
      %dma_start3A_270 = tpu.memref_slice %arg3[%mul3A_18] : memref<1000000xi32, #tpu.memory_space<hbm>> -> memref<4096xi32, #tpu.memory_space<hbm>>
      %dma_start3A_271 = tpu.memref_slice %arg3[%mul3A_18] : memref<1000000xi32, #tpu.memory_space<hbm>> -> memref<4096xi32, #tpu.memory_space<hbm>>
      tpu.enqueue_dma source(%dma_start3A_271 : memref<4096xi32, #tpu.memory_space<hbm>>) target(%arg6 : memref<4096xi32, #tpu.memory_space<vmem>>) target_semaphore(%arg13 : memref<!tpu.dma_semaphore, #tpu.memory_space<semaphore_mem>>)
    } else {
    }
    %add3A_104 = arith.constant 64 : i32
    %add3A_105 = arith.addi %add3A, %add3A_104 : i32
    %lt3A_106 = arith.constant 244 : i32
    %lt3A_107 = arith.cmpi slt, %add3A_105, %lt3A_106 : i32
    %convert_element_type3A_108 = arith.extui %lt3A_107 : i1 to i32
    %cond3A_109 = arith.constant 0 : i32
    %cond3A_110 = arith.cmpi ne, %convert_element_type3A_108, %cond3A_109 : i32
    scf.if %cond3A_110 {
      %dma_start3A = arith.constant 0 : i32
      %dma_start3A_269 = tpu.memref_slice %arg12[%dma_start3A] : memref<10000xf32, #tpu.memory_space<vmem_shared>> -> memref<10000xf32, #tpu.memory_space<vmem_shared>>
      tpu.enqueue_indirect_dma source(%arg9 : memref<4096xf32, #tpu.memory_space<vmem>>) target(%dma_start3A_269 : memref<10000xf32, #tpu.memory_space<vmem_shared>>) offsets(%arg10 : memref<4096xi32, #tpu.memory_space<vmem>>) semaphore(%arg18 : memref<!tpu.dma_semaphore, #tpu.memory_space<semaphore_mem>>) {add = true}
    } else {
    }
    %add3A_111 = arith.constant 96 : i32
    %add3A_112 = arith.addi %add3A, %add3A_111 : i32
    %lt3A_113 = arith.constant 244 : i32
    %lt3A_114 = arith.cmpi slt, %add3A_112, %lt3A_113 : i32
    %convert_element_type3A_115 = arith.extui %lt3A_114 : i1 to i32
    %cond3A_116 = arith.constant 0 : i32
    %cond3A_117 = arith.cmpi ne, %convert_element_type3A_115, %cond3A_116 : i32
    scf.if %cond3A_117 {
      %dma_wait3A = tpu.memref_slice %arg2[%mul3A_18] : memref<1000000xf32, #tpu.memory_space<hbm>> -> memref<4096xf32, #tpu.memory_space<hbm>>
      %dma_wait3A_269 = tpu.memref_slice %arg2[%mul3A_18] : memref<1000000xf32, #tpu.memory_space<hbm>> -> memref<4096xf32, #tpu.memory_space<hbm>>
      tpu.wait_dma2 semaphore(%arg13 : memref<!tpu.dma_semaphore, #tpu.memory_space<semaphore_mem>>) src(%dma_wait3A_269 : memref<4096xf32, #tpu.memory_space<hbm>>) dst(%arg5 : memref<4096xf32, #tpu.memory_space<vmem>>)
      %dma_wait3A_270 = tpu.memref_slice %arg3[%mul3A_18] : memref<1000000xi32, #tpu.memory_space<hbm>> -> memref<4096xi32, #tpu.memory_space<hbm>>
      %dma_wait3A_271 = tpu.memref_slice %arg3[%mul3A_18] : memref<1000000xi32, #tpu.memory_space<hbm>> -> memref<4096xi32, #tpu.memory_space<hbm>>
      tpu.wait_dma2 semaphore(%arg13 : memref<!tpu.dma_semaphore, #tpu.memory_space<semaphore_mem>>) src(%dma_wait3A_271 : memref<4096xi32, #tpu.memory_space<hbm>>) dst(%arg6 : memref<4096xi32, #tpu.memory_space<vmem>>)
    } else {
    }
    %add3A_118 = arith.constant 32 : i32
    %add3A_119 = arith.addi %add3A, %add3A_118 : i32
    %lt3A_120 = arith.constant 244 : i32
    %lt3A_121 = arith.cmpi slt, %add3A_119, %lt3A_120 : i32
    %convert_element_type3A_122 = arith.extui %lt3A_121 : i1 to i32
    %cond3A_123 = arith.constant 0 : i32
    %cond3A_124 = arith.cmpi ne, %convert_element_type3A_122, %cond3A_123 : i32
    scf.if %cond3A_124 {
      %dma_wait3A = arith.constant 0 : i32
      %dma_wait3A_269 = tpu.memref_slice %arg12[%dma_wait3A] : memref<10000xf32, #tpu.memory_space<vmem_shared>> -> memref<10000xf32, #tpu.memory_space<vmem_shared>>
      tpu.wait_indirect_dma semaphore(%arg17 : memref<!tpu.dma_semaphore, #tpu.memory_space<semaphore_mem>>) src(%arg7 : memref<4096xf32, #tpu.memory_space<vmem>>) dst(%dma_wait3A_269 : memref<10000xf32, #tpu.memory_space<vmem_shared>>)
    } else {
    }
    %add3A_125 = arith.constant 128 : i32
    %add3A_126 = arith.addi %add3A, %add3A_125 : i32
    %lt3A_127 = arith.constant 244 : i32
    %lt3A_128 = arith.cmpi slt, %add3A_126, %lt3A_127 : i32
    %convert_element_type3A_129 = arith.extui %lt3A_128 : i1 to i32
    %cond3A_130 = arith.constant 0 : i32
    %cond3A_131 = arith.cmpi ne, %convert_element_type3A_129, %cond3A_130 : i32
    scf.if %cond3A_131 {
      %dma_start3A = tpu.memref_slice %arg2[%mul3A_22] : memref<1000000xf32, #tpu.memory_space<hbm>> -> memref<4096xf32, #tpu.memory_space<hbm>>
      %dma_start3A_269 = tpu.memref_slice %arg2[%mul3A_22] : memref<1000000xf32, #tpu.memory_space<hbm>> -> memref<4096xf32, #tpu.memory_space<hbm>>
      tpu.enqueue_dma source(%dma_start3A_269 : memref<4096xf32, #tpu.memory_space<hbm>>) target(%arg7 : memref<4096xf32, #tpu.memory_space<vmem>>) target_semaphore(%arg14 : memref<!tpu.dma_semaphore, #tpu.memory_space<semaphore_mem>>)
      %dma_start3A_270 = tpu.memref_slice %arg3[%mul3A_22] : memref<1000000xi32, #tpu.memory_space<hbm>> -> memref<4096xi32, #tpu.memory_space<hbm>>
      %dma_start3A_271 = tpu.memref_slice %arg3[%mul3A_22] : memref<1000000xi32, #tpu.memory_space<hbm>> -> memref<4096xi32, #tpu.memory_space<hbm>>
      tpu.enqueue_dma source(%dma_start3A_271 : memref<4096xi32, #tpu.memory_space<hbm>>) target(%arg8 : memref<4096xi32, #tpu.memory_space<vmem>>) target_semaphore(%arg14 : memref<!tpu.dma_semaphore, #tpu.memory_space<semaphore_mem>>)
    } else {
    }
    %add3A_132 = arith.constant 96 : i32
    %add3A_133 = arith.addi %add3A, %add3A_132 : i32
    %lt3A_134 = arith.constant 244 : i32
    %lt3A_135 = arith.cmpi slt, %add3A_133, %lt3A_134 : i32
    %convert_element_type3A_136 = arith.extui %lt3A_135 : i1 to i32
    %cond3A_137 = arith.constant 0 : i32
    %cond3A_138 = arith.cmpi ne, %convert_element_type3A_136, %cond3A_137 : i32
    scf.if %cond3A_138 {
      %dma_start3A = arith.constant 0 : i32
      %dma_start3A_269 = tpu.memref_slice %arg12[%dma_start3A] : memref<10000xf32, #tpu.memory_space<vmem_shared>> -> memref<10000xf32, #tpu.memory_space<vmem_shared>>
      tpu.enqueue_indirect_dma source(%arg5 : memref<4096xf32, #tpu.memory_space<vmem>>) target(%dma_start3A_269 : memref<10000xf32, #tpu.memory_space<vmem_shared>>) offsets(%arg6 : memref<4096xi32, #tpu.memory_space<vmem>>) semaphore(%arg16 : memref<!tpu.dma_semaphore, #tpu.memory_space<semaphore_mem>>) {add = true}
    } else {
    }
    %add3A_139 = arith.constant 128 : i32
    %add3A_140 = arith.addi %add3A, %add3A_139 : i32
    %lt3A_141 = arith.constant 244 : i32
    %lt3A_142 = arith.cmpi slt, %add3A_140, %lt3A_141 : i32
    %convert_element_type3A_143 = arith.extui %lt3A_142 : i1 to i32
    %cond3A_144 = arith.constant 0 : i32
    %cond3A_145 = arith.cmpi ne, %convert_element_type3A_143, %cond3A_144 : i32
    scf.if %cond3A_145 {
      %dma_wait3A = tpu.memref_slice %arg2[%mul3A_22] : memref<1000000xf32, #tpu.memory_space<hbm>> -> memref<4096xf32, #tpu.memory_space<hbm>>
      %dma_wait3A_269 = tpu.memref_slice %arg2[%mul3A_22] : memref<1000000xf32, #tpu.memory_space<hbm>> -> memref<4096xf32, #tpu.memory_space<hbm>>
      tpu.wait_dma2 semaphore(%arg14 : memref<!tpu.dma_semaphore, #tpu.memory_space<semaphore_mem>>) src(%dma_wait3A_269 : memref<4096xf32, #tpu.memory_space<hbm>>) dst(%arg7 : memref<4096xf32, #tpu.memory_space<vmem>>)
      %dma_wait3A_270 = tpu.memref_slice %arg3[%mul3A_22] : memref<1000000xi32, #tpu.memory_space<hbm>> -> memref<4096xi32, #tpu.memory_space<hbm>>
      %dma_wait3A_271 = tpu.memref_slice %arg3[%mul3A_22] : memref<1000000xi32, #tpu.memory_space<hbm>> -> memref<4096xi32, #tpu.memory_space<hbm>>
      tpu.wait_dma2 semaphore(%arg14 : memref<!tpu.dma_semaphore, #tpu.memory_space<semaphore_mem>>) src(%dma_wait3A_271 : memref<4096xi32, #tpu.memory_space<hbm>>) dst(%arg8 : memref<4096xi32, #tpu.memory_space<vmem>>)
    } else {
    }
    %add3A_146 = arith.constant 64 : i32
    %add3A_147 = arith.addi %add3A, %add3A_146 : i32
    %lt3A_148 = arith.constant 244 : i32
    %lt3A_149 = arith.cmpi slt, %add3A_147, %lt3A_148 : i32
    %convert_element_type3A_150 = arith.extui %lt3A_149 : i1 to i32
    %cond3A_151 = arith.constant 0 : i32
    %cond3A_152 = arith.cmpi ne, %convert_element_type3A_150, %cond3A_151 : i32
    scf.if %cond3A_152 {
      %dma_wait3A = arith.constant 0 : i32
      %dma_wait3A_269 = tpu.memref_slice %arg12[%dma_wait3A] : memref<10000xf32, #tpu.memory_space<vmem_shared>> -> memref<10000xf32, #tpu.memory_space<vmem_shared>>
      tpu.wait_indirect_dma semaphore(%arg18 : memref<!tpu.dma_semaphore, #tpu.memory_space<semaphore_mem>>) src(%arg9 : memref<4096xf32, #tpu.memory_space<vmem>>) dst(%dma_wait3A_269 : memref<10000xf32, #tpu.memory_space<vmem_shared>>)
    } else {
    }
    %add3A_153 = arith.constant 160 : i32
    %add3A_154 = arith.addi %add3A, %add3A_153 : i32
    %lt3A_155 = arith.constant 244 : i32
    %lt3A_156 = arith.cmpi slt, %add3A_154, %lt3A_155 : i32
    %convert_element_type3A_157 = arith.extui %lt3A_156 : i1 to i32
    %cond3A_158 = arith.constant 0 : i32
    %cond3A_159 = arith.cmpi ne, %convert_element_type3A_157, %cond3A_158 : i32
    scf.if %cond3A_159 {
      %dma_start3A = tpu.memref_slice %arg2[%mul3A_26] : memref<1000000xf32, #tpu.memory_space<hbm>> -> memref<4096xf32, #tpu.memory_space<hbm>>
      %dma_start3A_269 = tpu.memref_slice %arg2[%mul3A_26] : memref<1000000xf32, #tpu.memory_space<hbm>> -> memref<4096xf32, #tpu.memory_space<hbm>>
      tpu.enqueue_dma source(%dma_start3A_269 : memref<4096xf32, #tpu.memory_space<hbm>>) target(%arg9 : memref<4096xf32, #tpu.memory_space<vmem>>) target_semaphore(%arg15 : memref<!tpu.dma_semaphore, #tpu.memory_space<semaphore_mem>>)
      %dma_start3A_270 = tpu.memref_slice %arg3[%mul3A_26] : memref<1000000xi32, #tpu.memory_space<hbm>> -> memref<4096xi32, #tpu.memory_space<hbm>>
      %dma_start3A_271 = tpu.memref_slice %arg3[%mul3A_26] : memref<1000000xi32, #tpu.memory_space<hbm>> -> memref<4096xi32, #tpu.memory_space<hbm>>
      tpu.enqueue_dma source(%dma_start3A_271 : memref<4096xi32, #tpu.memory_space<hbm>>) target(%arg10 : memref<4096xi32, #tpu.memory_space<vmem>>) target_semaphore(%arg15 : memref<!tpu.dma_semaphore, #tpu.memory_space<semaphore_mem>>)
    } else {
    }
    %add3A_160 = arith.constant 128 : i32
    %add3A_161 = arith.addi %add3A, %add3A_160 : i32
    %lt3A_162 = arith.constant 244 : i32
    %lt3A_163 = arith.cmpi slt, %add3A_161, %lt3A_162 : i32
    %convert_element_type3A_164 = arith.extui %lt3A_163 : i1 to i32
    %cond3A_165 = arith.constant 0 : i32
    %cond3A_166 = arith.cmpi ne, %convert_element_type3A_164, %cond3A_165 : i32
    scf.if %cond3A_166 {
      %dma_start3A = arith.constant 0 : i32
      %dma_start3A_269 = tpu.memref_slice %arg12[%dma_start3A] : memref<10000xf32, #tpu.memory_space<vmem_shared>> -> memref<10000xf32, #tpu.memory_space<vmem_shared>>
      tpu.enqueue_indirect_dma source(%arg7 : memref<4096xf32, #tpu.memory_space<vmem>>) target(%dma_start3A_269 : memref<10000xf32, #tpu.memory_space<vmem_shared>>) offsets(%arg8 : memref<4096xi32, #tpu.memory_space<vmem>>) semaphore(%arg17 : memref<!tpu.dma_semaphore, #tpu.memory_space<semaphore_mem>>) {add = true}
    } else {
    }
    %add3A_167 = arith.constant 160 : i32
    %add3A_168 = arith.addi %add3A, %add3A_167 : i32
    %lt3A_169 = arith.constant 244 : i32
    %lt3A_170 = arith.cmpi slt, %add3A_168, %lt3A_169 : i32
    %convert_element_type3A_171 = arith.extui %lt3A_170 : i1 to i32
    %cond3A_172 = arith.constant 0 : i32
    %cond3A_173 = arith.cmpi ne, %convert_element_type3A_171, %cond3A_172 : i32
    scf.if %cond3A_173 {
      %dma_wait3A = tpu.memref_slice %arg2[%mul3A_26] : memref<1000000xf32, #tpu.memory_space<hbm>> -> memref<4096xf32, #tpu.memory_space<hbm>>
      %dma_wait3A_269 = tpu.memref_slice %arg2[%mul3A_26] : memref<1000000xf32, #tpu.memory_space<hbm>> -> memref<4096xf32, #tpu.memory_space<hbm>>
      tpu.wait_dma2 semaphore(%arg15 : memref<!tpu.dma_semaphore, #tpu.memory_space<semaphore_mem>>) src(%dma_wait3A_269 : memref<4096xf32, #tpu.memory_space<hbm>>) dst(%arg9 : memref<4096xf32, #tpu.memory_space<vmem>>)
      %dma_wait3A_270 = tpu.memref_slice %arg3[%mul3A_26] : memref<1000000xi32, #tpu.memory_space<hbm>> -> memref<4096xi32, #tpu.memory_space<hbm>>
      %dma_wait3A_271 = tpu.memref_slice %arg3[%mul3A_26] : memref<1000000xi32, #tpu.memory_space<hbm>> -> memref<4096xi32, #tpu.memory_space<hbm>>
      tpu.wait_dma2 semaphore(%arg15 : memref<!tpu.dma_semaphore, #tpu.memory_space<semaphore_mem>>) src(%dma_wait3A_271 : memref<4096xi32, #tpu.memory_space<hbm>>) dst(%arg10 : memref<4096xi32, #tpu.memory_space<vmem>>)
    } else {
    }
    %add3A_174 = arith.constant 96 : i32
    %add3A_175 = arith.addi %add3A, %add3A_174 : i32
    %lt3A_176 = arith.constant 244 : i32
    %lt3A_177 = arith.cmpi slt, %add3A_175, %lt3A_176 : i32
    %convert_element_type3A_178 = arith.extui %lt3A_177 : i1 to i32
    %cond3A_179 = arith.constant 0 : i32
    %cond3A_180 = arith.cmpi ne, %convert_element_type3A_178, %cond3A_179 : i32
    scf.if %cond3A_180 {
      %dma_wait3A = arith.constant 0 : i32
      %dma_wait3A_269 = tpu.memref_slice %arg12[%dma_wait3A] : memref<10000xf32, #tpu.memory_space<vmem_shared>> -> memref<10000xf32, #tpu.memory_space<vmem_shared>>
      tpu.wait_indirect_dma semaphore(%arg16 : memref<!tpu.dma_semaphore, #tpu.memory_space<semaphore_mem>>) src(%arg5 : memref<4096xf32, #tpu.memory_space<vmem>>) dst(%dma_wait3A_269 : memref<10000xf32, #tpu.memory_space<vmem_shared>>)
    } else {
    }
    %add3A_181 = arith.constant 192 : i32
    %add3A_182 = arith.addi %add3A, %add3A_181 : i32
    %lt3A_183 = arith.constant 244 : i32
    %lt3A_184 = arith.cmpi slt, %add3A_182, %lt3A_183 : i32
    %convert_element_type3A_185 = arith.extui %lt3A_184 : i1 to i32
    %cond3A_186 = arith.constant 0 : i32
    %cond3A_187 = arith.cmpi ne, %convert_element_type3A_185, %cond3A_186 : i32
    scf.if %cond3A_187 {
      %dma_start3A = tpu.memref_slice %arg2[%mul3A_30] : memref<1000000xf32, #tpu.memory_space<hbm>> -> memref<4096xf32, #tpu.memory_space<hbm>>
      %dma_start3A_269 = tpu.memref_slice %arg2[%mul3A_30] : memref<1000000xf32, #tpu.memory_space<hbm>> -> memref<4096xf32, #tpu.memory_space<hbm>>
      tpu.enqueue_dma source(%dma_start3A_269 : memref<4096xf32, #tpu.memory_space<hbm>>) target(%arg5 : memref<4096xf32, #tpu.memory_space<vmem>>) target_semaphore(%arg13 : memref<!tpu.dma_semaphore, #tpu.memory_space<semaphore_mem>>)
      %dma_start3A_270 = tpu.memref_slice %arg3[%mul3A_30] : memref<1000000xi32, #tpu.memory_space<hbm>> -> memref<4096xi32, #tpu.memory_space<hbm>>
      %dma_start3A_271 = tpu.memref_slice %arg3[%mul3A_30] : memref<1000000xi32, #tpu.memory_space<hbm>> -> memref<4096xi32, #tpu.memory_space<hbm>>
      tpu.enqueue_dma source(%dma_start3A_271 : memref<4096xi32, #tpu.memory_space<hbm>>) target(%arg6 : memref<4096xi32, #tpu.memory_space<vmem>>) target_semaphore(%arg13 : memref<!tpu.dma_semaphore, #tpu.memory_space<semaphore_mem>>)
    } else {
    }
    %add3A_188 = arith.constant 160 : i32
    %add3A_189 = arith.addi %add3A, %add3A_188 : i32
    %lt3A_190 = arith.constant 244 : i32
    %lt3A_191 = arith.cmpi slt, %add3A_189, %lt3A_190 : i32
    %convert_element_type3A_192 = arith.extui %lt3A_191 : i1 to i32
    %cond3A_193 = arith.constant 0 : i32
    %cond3A_194 = arith.cmpi ne, %convert_element_type3A_192, %cond3A_193 : i32
    scf.if %cond3A_194 {
      %dma_start3A = arith.constant 0 : i32
      %dma_start3A_269 = tpu.memref_slice %arg12[%dma_start3A] : memref<10000xf32, #tpu.memory_space<vmem_shared>> -> memref<10000xf32, #tpu.memory_space<vmem_shared>>
      tpu.enqueue_indirect_dma source(%arg9 : memref<4096xf32, #tpu.memory_space<vmem>>) target(%dma_start3A_269 : memref<10000xf32, #tpu.memory_space<vmem_shared>>) offsets(%arg10 : memref<4096xi32, #tpu.memory_space<vmem>>) semaphore(%arg18 : memref<!tpu.dma_semaphore, #tpu.memory_space<semaphore_mem>>) {add = true}
    } else {
    }
    %add3A_195 = arith.constant 192 : i32
    %add3A_196 = arith.addi %add3A, %add3A_195 : i32
    %lt3A_197 = arith.constant 244 : i32
    %lt3A_198 = arith.cmpi slt, %add3A_196, %lt3A_197 : i32
    %convert_element_type3A_199 = arith.extui %lt3A_198 : i1 to i32
    %cond3A_200 = arith.constant 0 : i32
    %cond3A_201 = arith.cmpi ne, %convert_element_type3A_199, %cond3A_200 : i32
    scf.if %cond3A_201 {
      %dma_wait3A = tpu.memref_slice %arg2[%mul3A_30] : memref<1000000xf32, #tpu.memory_space<hbm>> -> memref<4096xf32, #tpu.memory_space<hbm>>
      %dma_wait3A_269 = tpu.memref_slice %arg2[%mul3A_30] : memref<1000000xf32, #tpu.memory_space<hbm>> -> memref<4096xf32, #tpu.memory_space<hbm>>
      tpu.wait_dma2 semaphore(%arg13 : memref<!tpu.dma_semaphore, #tpu.memory_space<semaphore_mem>>) src(%dma_wait3A_269 : memref<4096xf32, #tpu.memory_space<hbm>>) dst(%arg5 : memref<4096xf32, #tpu.memory_space<vmem>>)
      %dma_wait3A_270 = tpu.memref_slice %arg3[%mul3A_30] : memref<1000000xi32, #tpu.memory_space<hbm>> -> memref<4096xi32, #tpu.memory_space<hbm>>
      %dma_wait3A_271 = tpu.memref_slice %arg3[%mul3A_30] : memref<1000000xi32, #tpu.memory_space<hbm>> -> memref<4096xi32, #tpu.memory_space<hbm>>
      tpu.wait_dma2 semaphore(%arg13 : memref<!tpu.dma_semaphore, #tpu.memory_space<semaphore_mem>>) src(%dma_wait3A_271 : memref<4096xi32, #tpu.memory_space<hbm>>) dst(%arg6 : memref<4096xi32, #tpu.memory_space<vmem>>)
    } else {
    }
    %add3A_202 = arith.constant 128 : i32
    %add3A_203 = arith.addi %add3A, %add3A_202 : i32
    %lt3A_204 = arith.constant 244 : i32
    %lt3A_205 = arith.cmpi slt, %add3A_203, %lt3A_204 : i32
    %convert_element_type3A_206 = arith.extui %lt3A_205 : i1 to i32
    %cond3A_207 = arith.constant 0 : i32
    %cond3A_208 = arith.cmpi ne, %convert_element_type3A_206, %cond3A_207 : i32
    scf.if %cond3A_208 {
      %dma_wait3A = arith.constant 0 : i32
      %dma_wait3A_269 = tpu.memref_slice %arg12[%dma_wait3A] : memref<10000xf32, #tpu.memory_space<vmem_shared>> -> memref<10000xf32, #tpu.memory_space<vmem_shared>>
      tpu.wait_indirect_dma semaphore(%arg17 : memref<!tpu.dma_semaphore, #tpu.memory_space<semaphore_mem>>) src(%arg7 : memref<4096xf32, #tpu.memory_space<vmem>>) dst(%dma_wait3A_269 : memref<10000xf32, #tpu.memory_space<vmem_shared>>)
    } else {
    }
    %add3A_209 = arith.constant 224 : i32
    %add3A_210 = arith.addi %add3A, %add3A_209 : i32
    %lt3A_211 = arith.constant 244 : i32
    %lt3A_212 = arith.cmpi slt, %add3A_210, %lt3A_211 : i32
    %convert_element_type3A_213 = arith.extui %lt3A_212 : i1 to i32
    %cond3A_214 = arith.constant 0 : i32
    %cond3A_215 = arith.cmpi ne, %convert_element_type3A_213, %cond3A_214 : i32
    scf.if %cond3A_215 {
      %dma_start3A = tpu.memref_slice %arg2[%mul3A_34] : memref<1000000xf32, #tpu.memory_space<hbm>> -> memref<4096xf32, #tpu.memory_space<hbm>>
      %dma_start3A_269 = tpu.memref_slice %arg2[%mul3A_34] : memref<1000000xf32, #tpu.memory_space<hbm>> -> memref<4096xf32, #tpu.memory_space<hbm>>
      tpu.enqueue_dma source(%dma_start3A_269 : memref<4096xf32, #tpu.memory_space<hbm>>) target(%arg7 : memref<4096xf32, #tpu.memory_space<vmem>>) target_semaphore(%arg14 : memref<!tpu.dma_semaphore, #tpu.memory_space<semaphore_mem>>)
      %dma_start3A_270 = tpu.memref_slice %arg3[%mul3A_34] : memref<1000000xi32, #tpu.memory_space<hbm>> -> memref<4096xi32, #tpu.memory_space<hbm>>
      %dma_start3A_271 = tpu.memref_slice %arg3[%mul3A_34] : memref<1000000xi32, #tpu.memory_space<hbm>> -> memref<4096xi32, #tpu.memory_space<hbm>>
      tpu.enqueue_dma source(%dma_start3A_271 : memref<4096xi32, #tpu.memory_space<hbm>>) target(%arg8 : memref<4096xi32, #tpu.memory_space<vmem>>) target_semaphore(%arg14 : memref<!tpu.dma_semaphore, #tpu.memory_space<semaphore_mem>>)
    } else {
    }
    %add3A_216 = arith.constant 192 : i32
    %add3A_217 = arith.addi %add3A, %add3A_216 : i32
    %lt3A_218 = arith.constant 244 : i32
    %lt3A_219 = arith.cmpi slt, %add3A_217, %lt3A_218 : i32
    %convert_element_type3A_220 = arith.extui %lt3A_219 : i1 to i32
    %cond3A_221 = arith.constant 0 : i32
    %cond3A_222 = arith.cmpi ne, %convert_element_type3A_220, %cond3A_221 : i32
    scf.if %cond3A_222 {
      %dma_start3A = arith.constant 0 : i32
      %dma_start3A_269 = tpu.memref_slice %arg12[%dma_start3A] : memref<10000xf32, #tpu.memory_space<vmem_shared>> -> memref<10000xf32, #tpu.memory_space<vmem_shared>>
      tpu.enqueue_indirect_dma source(%arg5 : memref<4096xf32, #tpu.memory_space<vmem>>) target(%dma_start3A_269 : memref<10000xf32, #tpu.memory_space<vmem_shared>>) offsets(%arg6 : memref<4096xi32, #tpu.memory_space<vmem>>) semaphore(%arg16 : memref<!tpu.dma_semaphore, #tpu.memory_space<semaphore_mem>>) {add = true}
    } else {
    }
    %add3A_223 = arith.constant 224 : i32
    %add3A_224 = arith.addi %add3A, %add3A_223 : i32
    %lt3A_225 = arith.constant 244 : i32
    %lt3A_226 = arith.cmpi slt, %add3A_224, %lt3A_225 : i32
    %convert_element_type3A_227 = arith.extui %lt3A_226 : i1 to i32
    %cond3A_228 = arith.constant 0 : i32
    %cond3A_229 = arith.cmpi ne, %convert_element_type3A_227, %cond3A_228 : i32
    scf.if %cond3A_229 {
      %dma_wait3A = tpu.memref_slice %arg2[%mul3A_34] : memref<1000000xf32, #tpu.memory_space<hbm>> -> memref<4096xf32, #tpu.memory_space<hbm>>
      %dma_wait3A_269 = tpu.memref_slice %arg2[%mul3A_34] : memref<1000000xf32, #tpu.memory_space<hbm>> -> memref<4096xf32, #tpu.memory_space<hbm>>
      tpu.wait_dma2 semaphore(%arg14 : memref<!tpu.dma_semaphore, #tpu.memory_space<semaphore_mem>>) src(%dma_wait3A_269 : memref<4096xf32, #tpu.memory_space<hbm>>) dst(%arg7 : memref<4096xf32, #tpu.memory_space<vmem>>)
      %dma_wait3A_270 = tpu.memref_slice %arg3[%mul3A_34] : memref<1000000xi32, #tpu.memory_space<hbm>> -> memref<4096xi32, #tpu.memory_space<hbm>>
      %dma_wait3A_271 = tpu.memref_slice %arg3[%mul3A_34] : memref<1000000xi32, #tpu.memory_space<hbm>> -> memref<4096xi32, #tpu.memory_space<hbm>>
      tpu.wait_dma2 semaphore(%arg14 : memref<!tpu.dma_semaphore, #tpu.memory_space<semaphore_mem>>) src(%dma_wait3A_271 : memref<4096xi32, #tpu.memory_space<hbm>>) dst(%arg8 : memref<4096xi32, #tpu.memory_space<vmem>>)
    } else {
    }
    %add3A_230 = arith.constant 160 : i32
    %add3A_231 = arith.addi %add3A, %add3A_230 : i32
    %lt3A_232 = arith.constant 244 : i32
    %lt3A_233 = arith.cmpi slt, %add3A_231, %lt3A_232 : i32
    %convert_element_type3A_234 = arith.extui %lt3A_233 : i1 to i32
    %cond3A_235 = arith.constant 0 : i32
    %cond3A_236 = arith.cmpi ne, %convert_element_type3A_234, %cond3A_235 : i32
    scf.if %cond3A_236 {
      %dma_wait3A = arith.constant 0 : i32
      %dma_wait3A_269 = tpu.memref_slice %arg12[%dma_wait3A] : memref<10000xf32, #tpu.memory_space<vmem_shared>> -> memref<10000xf32, #tpu.memory_space<vmem_shared>>
      tpu.wait_indirect_dma semaphore(%arg18 : memref<!tpu.dma_semaphore, #tpu.memory_space<semaphore_mem>>) src(%arg9 : memref<4096xf32, #tpu.memory_space<vmem>>) dst(%dma_wait3A_269 : memref<10000xf32, #tpu.memory_space<vmem_shared>>)
    } else {
    }
    %add3A_237 = arith.constant 224 : i32
    %add3A_238 = arith.addi %add3A, %add3A_237 : i32
    %lt3A_239 = arith.constant 244 : i32
    %lt3A_240 = arith.cmpi slt, %add3A_238, %lt3A_239 : i32
    %convert_element_type3A_241 = arith.extui %lt3A_240 : i1 to i32
    %cond3A_242 = arith.constant 0 : i32
    %cond3A_243 = arith.cmpi ne, %convert_element_type3A_241, %cond3A_242 : i32
    scf.if %cond3A_243 {
      %dma_start3A = arith.constant 0 : i32
      %dma_start3A_269 = tpu.memref_slice %arg12[%dma_start3A] : memref<10000xf32, #tpu.memory_space<vmem_shared>> -> memref<10000xf32, #tpu.memory_space<vmem_shared>>
      tpu.enqueue_indirect_dma source(%arg7 : memref<4096xf32, #tpu.memory_space<vmem>>) target(%dma_start3A_269 : memref<10000xf32, #tpu.memory_space<vmem_shared>>) offsets(%arg8 : memref<4096xi32, #tpu.memory_space<vmem>>) semaphore(%arg17 : memref<!tpu.dma_semaphore, #tpu.memory_space<semaphore_mem>>) {add = true}
    } else {
    }
    %add3A_244 = arith.constant 192 : i32
    %add3A_245 = arith.addi %add3A, %add3A_244 : i32
    %lt3A_246 = arith.constant 244 : i32
    %lt3A_247 = arith.cmpi slt, %add3A_245, %lt3A_246 : i32
    %convert_element_type3A_248 = arith.extui %lt3A_247 : i1 to i32
    %cond3A_249 = arith.constant 0 : i32
    %cond3A_250 = arith.cmpi ne, %convert_element_type3A_248, %cond3A_249 : i32
    scf.if %cond3A_250 {
      %dma_wait3A = arith.constant 0 : i32
      %dma_wait3A_269 = tpu.memref_slice %arg12[%dma_wait3A] : memref<10000xf32, #tpu.memory_space<vmem_shared>> -> memref<10000xf32, #tpu.memory_space<vmem_shared>>
      tpu.wait_indirect_dma semaphore(%arg16 : memref<!tpu.dma_semaphore, #tpu.memory_space<semaphore_mem>>) src(%arg5 : memref<4096xf32, #tpu.memory_space<vmem>>) dst(%dma_wait3A_269 : memref<10000xf32, #tpu.memory_space<vmem_shared>>)
    } else {
    }
    %add3A_251 = arith.constant 224 : i32
    %add3A_252 = arith.addi %add3A, %add3A_251 : i32
    %lt3A_253 = arith.constant 244 : i32
    %lt3A_254 = arith.cmpi slt, %add3A_252, %lt3A_253 : i32
    %convert_element_type3A_255 = arith.extui %lt3A_254 : i1 to i32
    %cond3A_256 = arith.constant 0 : i32
    %cond3A_257 = arith.cmpi ne, %convert_element_type3A_255, %cond3A_256 : i32
    scf.if %cond3A_257 {
      %dma_wait3A = arith.constant 0 : i32
      %dma_wait3A_269 = tpu.memref_slice %arg12[%dma_wait3A] : memref<10000xf32, #tpu.memory_space<vmem_shared>> -> memref<10000xf32, #tpu.memory_space<vmem_shared>>
      tpu.wait_indirect_dma semaphore(%arg17 : memref<!tpu.dma_semaphore, #tpu.memory_space<semaphore_mem>>) src(%arg7 : memref<4096xf32, #tpu.memory_space<vmem>>) dst(%dma_wait3A_269 : memref<10000xf32, #tpu.memory_space<vmem_shared>>)
    } else {
    }
    %eq3A_258 = arith.constant 31 : i32
    %eq3A_259 = arith.cmpi eq, %add3A, %eq3A_258 : i32
    %convert_element_type3A_260 = arith.extui %eq3A_259 : i1 to i32
    %cond3A_261 = arith.constant 0 : i32
    %cond3A_262 = arith.cmpi ne, %convert_element_type3A_260, %cond3A_261 : i32
    scf.if %cond3A_262 {
      "tpu.region"() ({
        %run_scoped3A = tpu.sem_alloc : memref<!tpu.dma_semaphore, #tpu.memory_space<semaphore_mem>>
        %dma_start3A = arith.constant 0 : i32
        %dma_start3A_269 = tpu.memref_slice %arg5[%dma_start3A] : memref<4096xf32, #tpu.memory_space<vmem>> -> memref<576xf32, #tpu.memory_space<vmem>>
        %dma_start3A_270 = arith.constant 999424 : i32
        %dma_start3A_271 = tpu.memref_slice %arg2[%dma_start3A_270] : memref<1000000xf32, #tpu.memory_space<hbm>> -> memref<576xf32, #tpu.memory_space<hbm>>
        %dma_start3A_272 = arith.constant 0 : i32
        %dma_start3A_273 = tpu.memref_slice %arg5[%dma_start3A_272] : memref<4096xf32, #tpu.memory_space<vmem>> -> memref<576xf32, #tpu.memory_space<vmem>>
        %dma_start3A_274 = arith.constant 999424 : i32
        %dma_start3A_275 = tpu.memref_slice %arg2[%dma_start3A_274] : memref<1000000xf32, #tpu.memory_space<hbm>> -> memref<576xf32, #tpu.memory_space<hbm>>
        tpu.enqueue_dma source(%dma_start3A_275 : memref<576xf32, #tpu.memory_space<hbm>>) target(%dma_start3A_273 : memref<576xf32, #tpu.memory_space<vmem>>) target_semaphore(%run_scoped3A : memref<!tpu.dma_semaphore, #tpu.memory_space<semaphore_mem>>)
        %dma_wait3A = arith.constant 0 : i32
        %dma_wait3A_276 = tpu.memref_slice %arg5[%dma_wait3A] : memref<4096xf32, #tpu.memory_space<vmem>> -> memref<576xf32, #tpu.memory_space<vmem>>
        %dma_wait3A_277 = arith.constant 999424 : i32
        %dma_wait3A_278 = tpu.memref_slice %arg2[%dma_wait3A_277] : memref<1000000xf32, #tpu.memory_space<hbm>> -> memref<576xf32, #tpu.memory_space<hbm>>
        %dma_wait3A_279 = arith.constant 0 : i32
        %dma_wait3A_280 = tpu.memref_slice %arg5[%dma_wait3A_279] : memref<4096xf32, #tpu.memory_space<vmem>> -> memref<576xf32, #tpu.memory_space<vmem>>
        %dma_wait3A_281 = arith.constant 999424 : i32
        %dma_wait3A_282 = tpu.memref_slice %arg2[%dma_wait3A_281] : memref<1000000xf32, #tpu.memory_space<hbm>> -> memref<576xf32, #tpu.memory_space<hbm>>
        tpu.wait_dma2 semaphore(%run_scoped3A : memref<!tpu.dma_semaphore, #tpu.memory_space<semaphore_mem>>) src(%dma_wait3A_282 : memref<576xf32, #tpu.memory_space<hbm>>) dst(%dma_wait3A_280 : memref<576xf32, #tpu.memory_space<vmem>>)
        tpu.yield
      }) : () -> ()
      "tpu.region"() ({
        %run_scoped3A = tpu.sem_alloc : memref<!tpu.dma_semaphore, #tpu.memory_space<semaphore_mem>>
        %dma_start3A = arith.constant 0 : i32
        %dma_start3A_269 = tpu.memref_slice %arg6[%dma_start3A] : memref<4096xi32, #tpu.memory_space<vmem>> -> memref<576xi32, #tpu.memory_space<vmem>>
        %dma_start3A_270 = arith.constant 999424 : i32
        %dma_start3A_271 = tpu.memref_slice %arg3[%dma_start3A_270] : memref<1000000xi32, #tpu.memory_space<hbm>> -> memref<576xi32, #tpu.memory_space<hbm>>
        %dma_start3A_272 = arith.constant 0 : i32
        %dma_start3A_273 = tpu.memref_slice %arg6[%dma_start3A_272] : memref<4096xi32, #tpu.memory_space<vmem>> -> memref<576xi32, #tpu.memory_space<vmem>>
        %dma_start3A_274 = arith.constant 999424 : i32
        %dma_start3A_275 = tpu.memref_slice %arg3[%dma_start3A_274] : memref<1000000xi32, #tpu.memory_space<hbm>> -> memref<576xi32, #tpu.memory_space<hbm>>
        tpu.enqueue_dma source(%dma_start3A_275 : memref<576xi32, #tpu.memory_space<hbm>>) target(%dma_start3A_273 : memref<576xi32, #tpu.memory_space<vmem>>) target_semaphore(%run_scoped3A : memref<!tpu.dma_semaphore, #tpu.memory_space<semaphore_mem>>)
        %dma_wait3A = arith.constant 0 : i32
        %dma_wait3A_276 = tpu.memref_slice %arg6[%dma_wait3A] : memref<4096xi32, #tpu.memory_space<vmem>> -> memref<576xi32, #tpu.memory_space<vmem>>
        %dma_wait3A_277 = arith.constant 999424 : i32
        %dma_wait3A_278 = tpu.memref_slice %arg3[%dma_wait3A_277] : memref<1000000xi32, #tpu.memory_space<hbm>> -> memref<576xi32, #tpu.memory_space<hbm>>
        %dma_wait3A_279 = arith.constant 0 : i32
        %dma_wait3A_280 = tpu.memref_slice %arg6[%dma_wait3A_279] : memref<4096xi32, #tpu.memory_space<vmem>> -> memref<576xi32, #tpu.memory_space<vmem>>
        %dma_wait3A_281 = arith.constant 999424 : i32
        %dma_wait3A_282 = tpu.memref_slice %arg3[%dma_wait3A_281] : memref<1000000xi32, #tpu.memory_space<hbm>> -> memref<576xi32, #tpu.memory_space<hbm>>
        tpu.wait_dma2 semaphore(%run_scoped3A : memref<!tpu.dma_semaphore, #tpu.memory_space<semaphore_mem>>) src(%dma_wait3A_282 : memref<576xi32, #tpu.memory_space<hbm>>) dst(%dma_wait3A_280 : memref<576xi32, #tpu.memory_space<vmem>>)
        tpu.yield
      }) : () -> ()
      "tpu.region"() ({
        %run_scoped3A = tpu.sem_alloc : memref<!tpu.dma_semaphore, #tpu.memory_space<semaphore_mem>>
        %dma_start3A = arith.constant 0 : i32
        %dma_start3A_269 = tpu.memref_slice %arg5[%dma_start3A] : memref<4096xf32, #tpu.memory_space<vmem>> -> memref<576xf32, #tpu.memory_space<vmem>>
        %dma_start3A_270 = arith.constant 0 : i32
        %dma_start3A_271 = tpu.memref_slice %arg6[%dma_start3A_270] : memref<4096xi32, #tpu.memory_space<vmem>> -> memref<576xi32, #tpu.memory_space<vmem>>
        %dma_start3A_272 = arith.constant 0 : i32
        %dma_start3A_273 = tpu.memref_slice %arg12[%dma_start3A_272] : memref<10000xf32, #tpu.memory_space<vmem_shared>> -> memref<10000xf32, #tpu.memory_space<vmem_shared>>
        tpu.enqueue_indirect_dma source(%dma_start3A_269 : memref<576xf32, #tpu.memory_space<vmem>>) target(%dma_start3A_273 : memref<10000xf32, #tpu.memory_space<vmem_shared>>) offsets(%dma_start3A_271 : memref<576xi32, #tpu.memory_space<vmem>>) semaphore(%run_scoped3A : memref<!tpu.dma_semaphore, #tpu.memory_space<semaphore_mem>>) {add = true}
        %dma_wait3A = arith.constant 0 : i32
        %dma_wait3A_274 = tpu.memref_slice %arg5[%dma_wait3A] : memref<4096xf32, #tpu.memory_space<vmem>> -> memref<576xf32, #tpu.memory_space<vmem>>
        %dma_wait3A_275 = arith.constant 0 : i32
        %dma_wait3A_276 = tpu.memref_slice %arg6[%dma_wait3A_275] : memref<4096xi32, #tpu.memory_space<vmem>> -> memref<576xi32, #tpu.memory_space<vmem>>
        %dma_wait3A_277 = arith.constant 0 : i32
        %dma_wait3A_278 = tpu.memref_slice %arg12[%dma_wait3A_277] : memref<10000xf32, #tpu.memory_space<vmem_shared>> -> memref<10000xf32, #tpu.memory_space<vmem_shared>>
        tpu.wait_indirect_dma semaphore(%run_scoped3A : memref<!tpu.dma_semaphore, #tpu.memory_space<semaphore_mem>>) src(%dma_wait3A_274 : memref<576xf32, #tpu.memory_space<vmem>>) dst(%dma_wait3A_278 : memref<10000xf32, #tpu.memory_space<vmem_shared>>)
        tpu.yield
      }) : () -> ()
    } else {
    }
    %barrier3A_263 = arith.constant 0 : index
    tpu.barrier barrier_id(%barrier3A_263)
    %eq3A_264 = arith.constant 0 : i32
    %eq3A_265 = arith.cmpi eq, %arg1, %eq3A_264 : i32
    %convert_element_type3A_266 = arith.extui %eq3A_265 : i1 to i32
    %cond3A_267 = arith.constant 0 : i32
    %cond3A_268 = arith.cmpi ne, %convert_element_type3A_266, %cond3A_267 : i32
    scf.if %cond3A_268 {
      "tpu.region"() ({
        %run_scoped3A = tpu.sem_alloc : memref<!tpu.dma_semaphore, #tpu.memory_space<semaphore_mem>>
        tpu.enqueue_dma source(%arg12 : memref<10000xf32, #tpu.memory_space<vmem_shared>>) target(%arg11 : memref<10000xf32, #tpu.memory_space<vmem>>) target_semaphore(%run_scoped3A : memref<!tpu.dma_semaphore, #tpu.memory_space<semaphore_mem>>)
        tpu.wait_dma2 semaphore(%run_scoped3A : memref<!tpu.dma_semaphore, #tpu.memory_space<semaphore_mem>>) src(%arg12 : memref<10000xf32, #tpu.memory_space<vmem_shared>>) dst(%arg11 : memref<10000xf32, #tpu.memory_space<vmem>>)
        tpu.yield
      }) : () -> ()
      "tpu.region"() ({
        %run_scoped3A = tpu.sem_alloc : memref<!tpu.dma_semaphore, #tpu.memory_space<semaphore_mem>>
        %dma_start3A = arith.constant 0 : i32
        %dma_start3A_269 = tpu.memref_slice %arg4[%arg0, %dma_start3A] : memref<2x10000xf32, #tpu.memory_space<hbm>> -> memref<1x10000xf32, #tpu.memory_space<hbm>>
        %dma_start3A_270 = tpu.memref_squeeze %dma_start3A_269 : memref<1x10000xf32, #tpu.memory_space<hbm>> -> memref<10000xf32, #tpu.memory_space<hbm>>
        %dma_start3A_271 = arith.constant 0 : i32
        %dma_start3A_272 = tpu.memref_slice %arg4[%arg0, %dma_start3A_271] : memref<2x10000xf32, #tpu.memory_space<hbm>> -> memref<1x10000xf32, #tpu.memory_space<hbm>>
        %dma_start3A_273 = tpu.memref_squeeze %dma_start3A_272 : memref<1x10000xf32, #tpu.memory_space<hbm>> -> memref<10000xf32, #tpu.memory_space<hbm>>
        tpu.enqueue_dma source(%arg11 : memref<10000xf32, #tpu.memory_space<vmem>>) target(%dma_start3A_273 : memref<10000xf32, #tpu.memory_space<hbm>>) target_semaphore(%run_scoped3A : memref<!tpu.dma_semaphore, #tpu.memory_space<semaphore_mem>>)
        %dma_wait3A = arith.constant 0 : i32
        %dma_wait3A_274 = tpu.memref_slice %arg4[%arg0, %dma_wait3A] : memref<2x10000xf32, #tpu.memory_space<hbm>> -> memref<1x10000xf32, #tpu.memory_space<hbm>>
        %dma_wait3A_275 = tpu.memref_squeeze %dma_wait3A_274 : memref<1x10000xf32, #tpu.memory_space<hbm>> -> memref<10000xf32, #tpu.memory_space<hbm>>
        %dma_wait3A_276 = arith.constant 0 : i32
        %dma_wait3A_277 = tpu.memref_slice %arg4[%arg0, %dma_wait3A_276] : memref<2x10000xf32, #tpu.memory_space<hbm>> -> memref<1x10000xf32, #tpu.memory_space<hbm>>
        %dma_wait3A_278 = tpu.memref_squeeze %dma_wait3A_277 : memref<1x10000xf32, #tpu.memory_space<hbm>> -> memref<10000xf32, #tpu.memory_space<hbm>>
        tpu.wait_dma2 semaphore(%run_scoped3A : memref<!tpu.dma_semaphore, #tpu.memory_space<semaphore_mem>>) src(%arg11 : memref<10000xf32, #tpu.memory_space<vmem>>) dst(%dma_wait3A_278 : memref<10000xf32, #tpu.memory_space<hbm>>)
        tpu.yield
      }) : () -> ()
    } else {
    }
    return
  }
}

module attributes {stable_mosaic.version = 14 : i64} {
  func.func @body(%arg0: i32, %arg1: memref<3x262144xf32, #tpu.memory_space<vmem>>, %arg2: memref<3x262144xf32, #tpu.memory_space<vmem>>, %arg3: memref<1x262144xf32, #tpu.memory_space<vmem>>) attributes {dimension_semantics = [#tpu.dimension_semantics<arbitrary>], iteration_bounds = array<i64: 4>, scalar_prefetch = 0 : i64, scratch_operands = 0 : i64, tpu.core_type = #tpu.core_type<tc>, window_params = [{transform_indices = @transform_0, window_bounds = array<i64: 3, 262144>}, {transform_indices = @transform_1, window_bounds = array<i64: 3, 262144>}, {transform_indices = @transform_2, window_bounds = array<i64: 1, 262144>}]} {
    %get3A = arith.constant 0 : index
    %get3A_0 = arith.constant 0 : index
    %get3A_1 = vector.load %arg1[%get3A, %get3A_0] : memref<3x262144xf32, #tpu.memory_space<vmem>>, vector<3x262144xf32>
    %get3A_2 = arith.constant 0 : index
    %get3A_3 = arith.constant 0 : index
    %get3A_4 = vector.load %arg2[%get3A_2, %get3A_3] : memref<3x262144xf32, #tpu.memory_space<vmem>>, vector<3x262144xf32>
    %sub3A = arith.subf %get3A_1, %get3A_4 : vector<3x262144xf32>
    %mul3A = arith.mulf %sub3A, %sub3A : vector<3x262144xf32>
    %reduce_sum3A = arith.constant dense<0.000000e+00> : vector<262144xf32>
    %reduce_sum3A_5 = vector.multi_reduction <add>, %mul3A, %reduce_sum3A [0] : vector<3x262144xf32> to vector<262144xf32>
    %broadcast_in_dim3A = vector.shape_cast %reduce_sum3A_5 : vector<262144xf32> to vector<1x262144xf32>
    %swap3A = arith.constant 0 : index
    %swap3A_6 = arith.constant 0 : index
    %swap3A_7 = vector.load %arg3[%swap3A, %swap3A_6] : memref<1x262144xf32, #tpu.memory_space<vmem>>, vector<1x262144xf32>
    tpu.vector_store %arg3[%swap3A, %swap3A_6], %broadcast_in_dim3A {strides = array<i32>} : memref<1x262144xf32, #tpu.memory_space<vmem>>, vector<1x262144xf32>,
    return
  }
  func.func @transform_0(%arg0: i32) -> (i32, i32) {
    %c0_i32 = arith.constant 0 : i32
    %c0_i32_0 = arith.constant 0 : i32
    return %c0_i32, %arg0 : i32, i32
  }
  func.func @transform_1(%arg0: i32) -> (i32, i32) {
    %c0_i32 = arith.constant 0 : i32
    %c0_i32_0 = arith.constant 0 : i32
    return %c0_i32, %arg0 : i32, i32
  }
  func.func @transform_2(%arg0: i32) -> (i32, i32) {
    %c0_i32 = arith.constant 0 : i32
    %c0_i32_0 = arith.constant 0 : i32
    return %c0_i32, %arg0 : i32, i32
  }
}

module attributes {stable_mosaic.version = 14 : i64} {
  func.func @body(%arg0: memref<2x10000xf32, #tpu.memory_space<vmem>>, %arg1: memref<1x10000xi32, #tpu.memory_space<vmem>>, %arg2: memref<1x10000xf32, #tpu.memory_space<vmem>>, %arg3: memref<1x10000xf32, #tpu.memory_space<vmem>>, %arg4: memref<1x1xf32, #tpu.memory_space<smem>>, %arg5: memref<1x10000xf32, #tpu.memory_space<vmem>>, %arg6: memref<1x10000xf32, #tpu.memory_space<vmem>>) attributes {dimension_semantics = [], scalar_prefetch = 0 : i64, scratch_operands = 0 : i64, tpu.core_type = #tpu.core_type<tc>} {
    %get3A = arith.constant 0 : index
    %get3A_0 = arith.constant 0 : index
    %get3A_1 = vector.load %arg0[%get3A, %get3A_0] : memref<2x10000xf32, #tpu.memory_space<vmem>>, vector<1x10000xf32>
    %get3A_2 = arith.constant 1 : index
    %get3A_3 = arith.constant 0 : index
    %get3A_4 = vector.load %arg0[%get3A_2, %get3A_3] : memref<2x10000xf32, #tpu.memory_space<vmem>>, vector<1x10000xf32>
    %add3A = arith.addf %get3A_1, %get3A_4 : vector<1x10000xf32>
    %get3A_5 = arith.constant 0 : index
    %get3A_6 = arith.constant 0 : index
    %get3A_7 = vector.load %arg1[%get3A_5, %get3A_6] : memref<1x10000xi32, #tpu.memory_space<vmem>>, vector<1x10000xi32>
    %convert_element_type3A = arith.sitofp %get3A_7 : vector<1x10000xi32> to vector<1x10000xf32>
    %mul3A = arith.constant 3.000000e+00 : f32
    %mul3A_8 = vector.broadcast %mul3A : f32 to vector<1x10000xf32>
    %mul3A_9 = arith.mulf %mul3A_8, %convert_element_type3A : vector<1x10000xf32>
    %div3A = arith.constant 1.000000e+00 : f32
    %div3A_10 = vector.broadcast %div3A : f32 to vector<1x10000xf32>
    %div3A_11 = arith.divf %div3A_10, %mul3A_9 : vector<1x10000xf32>
    %mul3A_12 = arith.mulf %add3A, %div3A_11 : vector<1x10000xf32>
    %get3A_13 = arith.constant 0 : index
    %get3A_14 = arith.constant 0 : index
    %get3A_15 = vector.load %arg2[%get3A_13, %get3A_14] : memref<1x10000xf32, #tpu.memory_space<vmem>>, vector<1x10000xf32>
    %get3A_16 = arith.constant 0 : index
    %get3A_17 = arith.constant 0 : index
    %get3A_18 = vector.load %arg3[%get3A_16, %get3A_17] : memref<1x10000xf32, #tpu.memory_space<vmem>>, vector<1x10000xf32>
    %sub3A = arith.subf %get3A_15, %get3A_18 : vector<1x10000xf32>
    %integer_pow3A = arith.mulf %sub3A, %sub3A : vector<1x10000xf32>
    %swap3A = arith.constant 0 : index
    %swap3A_19 = arith.constant 0 : index
    %swap3A_20 = vector.load %arg6[%swap3A, %swap3A_19] : memref<1x10000xf32, #tpu.memory_space<vmem>>, vector<1x10000xf32>
    tpu.vector_store %arg6[%swap3A, %swap3A_19], %mul3A_12 {strides = array<i32>} : memref<1x10000xf32, #tpu.memory_space<vmem>>, vector<1x10000xf32>,
    %swap3A_21 = arith.constant 0 : index
    %swap3A_22 = arith.constant 0 : index
    %swap3A_23 = vector.load %arg5[%swap3A_21, %swap3A_22] : memref<1x10000xf32, #tpu.memory_space<vmem>>, vector<1x10000xf32>
    tpu.vector_store %arg5[%swap3A_21, %swap3A_22], %integer_pow3A {strides = array<i32>} : memref<1x10000xf32, #tpu.memory_space<vmem>>, vector<1x10000xf32>,
    %reduce_sum3A = vector.shape_cast %integer_pow3A : vector<1x10000xf32> to vector<1x1x10000xf32>
    %reduce_sum3A_24 = arith.constant dense<0.000000e+00> : vector<1xf32>
    %reduce_sum3A_25 = vector.multi_reduction <add>, %reduce_sum3A, %reduce_sum3A_24 [1, 2] : vector<1x1x10000xf32> to vector<1xf32>
    %reduce_sum3A_26 = vector.shape_cast %reduce_sum3A_25 : vector<1xf32> to vector<1x1x1xf32>
    %reduce_sum3A_27 = vector.extract %reduce_sum3A_26[0, 0, 0] : f32 from vector<1x1x1xf32>
    %reduce_sum3A_28 = vector.shape_cast %mul3A_12 : vector<1x10000xf32> to vector<1x1x10000xf32>
    %reduce_sum3A_29 = arith.constant dense<0.000000e+00> : vector<1xf32>
    %reduce_sum3A_30 = vector.multi_reduction <add>, %reduce_sum3A_28, %reduce_sum3A_29 [1, 2] : vector<1x1x10000xf32> to vector<1xf32>
    %reduce_sum3A_31 = vector.shape_cast %reduce_sum3A_30 : vector<1xf32> to vector<1x1x1xf32>
    %reduce_sum3A_32 = vector.extract %reduce_sum3A_31[0, 0, 0] : f32 from vector<1x1x1xf32>
    %add3A_33 = arith.addf %reduce_sum3A_27, %reduce_sum3A_32 : f32
    %div3A_34 = arith.constant 1.000000e+04 : f32
    %div3A_35 = arith.divf %add3A_33, %div3A_34 : f32
    %swap3A_36 = arith.constant 0 : index
    %swap3A_37 = arith.constant 0 : index
    %swap3A_38 = memref.load %arg4[%swap3A_36, %swap3A_37] : memref<1x1xf32, #tpu.memory_space<smem>>
    memref.store %div3A_35, %arg4[%swap3A_36, %swap3A_37] : memref<1x1xf32, #tpu.memory_space<smem>>
    return
  }
}

</mosaic_0001>

<sc_bundles>
// kernel: kernel.5.cloned.1.call-start
scs
__scs_entry_jumppad:
0x0: {  	(pc) =	sbr.rel $0x88, $3  }
0x1: {  	(tag) =	ssettag $0x0;
	lr =	simm.s32 $0x1  }
0x2: {  	[smem:$0x3F9B] =	sst lr;
	_ =	strace $0xD0000000  }
0x3: {  	_ = 	snop  }
0x4: {  	_ = 	snop  }
0x5: {  	_ = 	snop  }
0x6: {  	_ = 	snop  }
0x7: {  	_ = 	snop  }
__scs_overlays_trampoline_lowered:
0x8: {  	[smem:$0x3FAA] =	sst s0  }
0x9: {  	[smem:$0x3FAB] =	sst s1  }
0xa: {  	[smem:$0x3FAC] =	sst s2  }
0xb: {  	[smem:$0x3FAD] =	sst s3  }
0xc: {  	[smem:$0x3FAE] =	sst s4  }
0xd: {  	[smem:$0x3FAF] =	sst s5  }
0xe: {  	[smem:$0x3FB0] =	sst s6  }
0xf: {  	[smem:$0x3FB1] =	sst s7  }
0x10: {  	[smem:$0x3FB2] =	sst s8  }
0x11: {  	[smem:$0x3FB3] =	sst s9;
	s0 =	simm.s32 @!p0 $0x0  }
0x12: {  	s1 =	sld [smem:$0x3F99];
	s0 =	simm.s32 @p0 $0x1  }
0x13: {  	[smem:$0x3FB4] =	sst s0;
	s0 =	simm.s32 @!p1 $0x0  }
0x14: {  	s2 =	sld [smem:$0x3F98];
	s0 =	simm.s32 @p1 $0x1  }
0x15: {  	[smem:$0x3FB5] =	sst s0;
	s0 =	simm.s32 @!p2 $0x0  }
0x16: {  	s3 =	sld [smem:$0x3FDB];
	s0 =	simm.s32 @p2 $0x1  }
0x17: {  	s4 =	simm.s32 $0x1BF5;
	[smem:$0x3FB7] =	sst s0  }
0x18: {  	s0 =	sld [smem:$0x3F9A];
	_ =	swait.ge [sflag:s4], $0x0  }
0x19: {  	s7 =	sld [smem:$0x3F9B]  }
0x1a: {  	s8 =	sadd.s32 $0xFFFFE003, lr  }
0x1b: {  	s9 =	sadd.s32 $0xFFFFFEF7, lr;
	s5 =	simm.s32 $0xFFFFFFFF;
	p2 =	slt.u32 s8, $0xFFFFF086  }
0x1c: {  	p1 =	slt.u32 s9, $0xF7A;
	s5 =	simm.s32 @!p2 $0x0  }
0x1d: {  	s5 =	simm.s32 @p1 $0x1;
	p0 =	seq.s32 s7, s2  }
0x1e: {  	s7 =	smul.u32 @!p0 $0xF7A, s2;
	p2 =	seq.s32 @!p0 s5, $0x0  }
0x1f: {  	s9 =	smul.u32 $0xF7A, s1;
	s8 =	simm.s32 @!p0 $0x1BF5;
	p2 =	por !p2, p0  }
0x20: {  	[sflag:s8] =	ssyncset.s32 @!p0 $0xFFFFF086;
	s6 =	sadd.s32 @!p0 s3, s7;
	s7 =	simm.s32 @!p0 $0x108  }
0x21: {  	s3 =	sadd.s32 s3, s9;
	s6 =	sadd.s32 @!p0 $0x88, s6;
	s7 =	simm.s32 @p2 $0x1082  }
0x22: {  	[simem:s7], [sflag:s8] =	dma.local @!p0 [hbm:s6], $0xF7A  }
0x23: {  	s9 =	sor.u32 $0xD0000000, s2;
	s6 =	simm.s32 $0x108;
	_ =	swait.ge @!p0 [sflag:s8], $0x0  }
0x24: {  	s3 =	sadd.s32 $0x88, s3;
	s6 =	simm.s32 @!p1 $0x1082;
	[sflag:s4] =	ssyncset.s32 $0xFFFFF086  }
0x25: {  	[simem:s6], [sflag:s4] =	dma.local [hbm:s3], $0xF7A  }
0x26: {  	[smem:$0x3F9B] =	sst s1;
	(tag) =	ssettag s2;
	_ =	strace s9  }
0x27: {  	s1 =	sld [smem:$0x3FAB]  }
0x28: {  	s2 =	sld [smem:$0x3FAC]  }
0x29: {  	s4 =	sld [smem:$0x3FAE]  }
0x2a: {  	p0 =	seq.s32 s5, $0x0;
	s5 =	sld [smem:$0x3FAF]  }
0x2b: {  	s6 =	sld [smem:$0x3FB0]  }
0x2c: {  	s7 =	sld [smem:$0x3FB1]  }
0x2d: {  	s3 =	simm.s32 $0x108;
	s8 =	sld [smem:$0x3FB2]  }
0x2e: {  	s3 =	simm.s32 @!p0 $0x1082;
	s9 =	sld [smem:$0x3FB3]  }
0x2f: {  	lr =	sadd.s32 s0, s3;
	s0 =	sld [smem:$0x3FAA]  }
0x30: {  	s3 =	sld [smem:$0x3FAD]  }
0x31: {  	[smem:$0x3FB6] =	sst s10  }
0x32: {  	s10 =	sld [smem:$0x3FB4];
	_ =	sdelay $0x3  }
0x33: {  	p0 =	seq.s32 s10, $0x1;
	s10 =	sld [smem:$0x3FB6];
	_ =	sdelay $0x3  }
0x34: {  	[smem:$0x3FB6] =	sst s10  }
0x35: {  	s10 =	sld [smem:$0x3FB5];
	_ =	sdelay $0x3  }
0x36: {  	p1 =	seq.s32 s10, $0x1;
	s10 =	sld [smem:$0x3FB6];
	_ =	sdelay $0x3  }
0x37: {  	[smem:$0x3FB6] =	sst s10  }
0x38: {  	s10 =	sld [smem:$0x3FB7]  }
0x39: {  	_ = 	snop;
	(pc) =	sbr.ind lr, $3  }
0x3a: {  	_ = 	snop  }
0x3b: {  	_ = 	snop  }
0x3c: {  	p2 =	seq.s32 s10, $0x1;
	s10 =	sld [smem:$0x3FB6]  }
0x3d: {  	_ =	shalt  }
0x3e: {  	_ =	shalt  }
0x3f: {  	_ =	shalt  }
0x40: {  	_ =	shalt  }
0x41: {  	_ =	shalt  }
0x42: {  	_ =	shalt  }
0x43: {  	_ =	shalt  }
0x44: {  	_ =	shalt  }
0x45: {  	_ =	shalt  }
0x46: {  	_ =	shalt  }
0x47: {  	_ =	shalt  }
0x48: {  	_ =	shalt  }
0x49: {  	_ =	shalt  }
0x4a: {  	_ =	shalt  }
0x4b: {  	_ =	shalt  }
0x4c: {  	_ =	shalt  }
0x4d: {  	_ =	shalt  }
0x4e: {  	_ =	shalt  }
0x4f: {  	_ =	shalt  }
0x50: {  	_ =	shalt  }
0x51: {  	_ =	shalt  }
0x52: {  	_ =	shalt  }
0x53: {  	_ =	shalt  }
0x54: {  	_ =	shalt  }
0x55: {  	_ =	shalt  }
0x56: {  	_ =	shalt  }
0x57: {  	_ =	shalt  }
0x58: {  	_ =	shalt  }
0x59: {  	_ =	shalt  }
0x5a: {  	_ =	shalt  }
0x5b: {  	_ =	shalt  }
0x5c: {  	_ =	shalt  }
0x5d: {  	_ =	shalt  }
0x5e: {  	_ =	shalt  }
0x5f: {  	_ =	shalt  }
0x60: {  	_ =	shalt  }
0x61: {  	_ =	shalt  }
0x62: {  	_ =	shalt  }
0x63: {  	_ =	shalt  }
0x64: {  	_ =	shalt  }
0x65: {  	_ =	shalt  }
0x66: {  	_ =	shalt  }
0x67: {  	_ =	shalt  }
0x68: {  	_ =	shalt  }
0x69: {  	_ =	shalt  }
0x6a: {  	_ =	shalt  }
0x6b: {  	_ =	shalt  }
0x6c: {  	_ =	shalt  }
0x6d: {  	_ =	shalt  }
0x6e: {  	_ =	shalt  }
0x6f: {  	_ =	shalt  }
0x70: {  	_ =	shalt  }
0x71: {  	_ =	shalt  }
0x72: {  	_ =	shalt  }
0x73: {  	_ =	shalt  }
0x74: {  	_ =	shalt  }
0x75: {  	_ =	shalt  }
0x76: {  	_ =	shalt  }
0x77: {  	_ =	shalt  }
0x78: {  	_ =	shalt  }
0x79: {  	_ =	shalt  }
0x7a: {  	_ =	shalt  }
0x7b: {  	_ =	shalt  }
0x7c: {  	_ =	shalt  }
0x7d: {  	_ =	shalt  }
0x7e: {  	_ =	shalt  }
0x7f: {  	_ =	shalt  }
0x80: {  	_ =	shalt  }
0x81: {  	_ =	shalt  }
0x82: {  	_ =	shalt  }
0x83: {  	_ =	shalt  }
0x84: {  	_ =	shalt  }
0x85: {  	_ =	shalt  }
0x86: {  	_ =	shalt  }
0x87: {  	_ =	shalt  }
.Lfunc_end0:
.L_simem_size_0:
called_computation_lowered:
.L_overlay_start_0:
0x88: {  	s2 =	sld [smem:$0x3FD9]  }
0x89: {  	s3 =	sld [smem:$0x3FFE];
	_ =	sdelay $0x1  }
0x8a: {  	s1 =	srdreg.scid  }
0x8b: {  	s0 =	sand.u32 $0x1, s1  }
0x8c: {  	s17 =	sshll.u32 s0, $0xA;
	s2 =	sadd.s32 s3, s2  }
0x8d: {  	s2 =	sadd.s32 s2, s17  }
0x8e: {  	[smem:$0x3FC2] =	sst s2  }
0x8f: {  	_ = 	snop  }
0x90: {  	s2 =	sld [smem:$0x3FC5];
	(tm) =	ssettm $0x1  }
0x91: {  	s18 =	sld [smem:$0x3FFB];
	_ =	sdelay $0x3  }
0x92: {  	_ =	strace s18  }
0x93: {  	s3 =	sld [smem:$0x3FFC];
	_ =	sdelay $0x3  }
0x94: {  	_ =	strace s3  }
0x95: {  	s3 =	sld [smem:$0x3FFD];
	_ =	sdelay $0x3  }
0x96: {  	_ =	strace s3  }
0x97: {  	_ =	strace $0x8FFFFFFF  }
0x98: {  	s19 =	sld [smem:$0x3FDB];
	_ =	sdelay $0x1  }
0x99: {  	s4 =	simm.s32 $_scs_section_size  }
0x9a: {  	s5 =	simm.s32 $_size__tile_overlayer_lowered;
	s6 =	simm.s32 $_tile_overlayer_lowered  }
0x9b: {  	s22 =	simm.s32 $0x1BFF;
	s21 =	sshll.u32 s6, $0x1;
	s3 =	sadd.s32 s4, s19  }
0x9c: {  	s7 =	simm.s32 $0x0;
	s20 =	sshll.u32 s5, $0x1;
	s5 =	sadd.s32 s21, s3  }
0x9d: {  	[timem:s7], [sflag:s22] =	dma.local [hbm:s5], s20  }
0x9e: {  	_ =	swait.ge [sflag:s22], s20  }
0x9f: {  	s4 =	ssub.s32 $0x0, s20;
	[sflag:s22] =	ssyncset.done $0x0  }
0xa0: {  	[sflag:s22] =	ssyncadd.s32 s4;
	_ =	sdelay $0x1  }
0xa1: {  	s23 =	simm.s32 $0x1B8B  }
0xa2: {  	_ =	swait.ge [sflag:s23], $0x1  }
0xa3: {  	[sflag:s23] =	ssyncset.done $0x0  }
0xa4: {  	s25 =	simm.s32 $0x1B8E;
	s24 =	sld [smem:$0x3FFE];
	[sflag:s23] =	ssyncadd.s32 $0xFFFFFFFF  }
0xa5: {  	s26 =	simm.s32 $execute0_lowered;
	[smem:$0x3FD2] =	sst s25  }
0xa6: {  	s5 =	sshll.u32 s26, $0x1;
	_ =	strace $0x80000046;
	[dreg:$0x1] =	wrdreg $0xFFFFFFFF  }
0xa7: {  	s28 =	simm.s32 $_size_execute0_lowered;
	s3 =	sadd.s32 s3, s5;
	[dreg:$0x0] =	wrdreg $0x0  }
0xa8: {  	s5 =	sshll.u32 s28, $0x1;
	[dreg:$0x2] =	wrdreg s3  }
0xa9: {  	[dreg:$0x3] =	wrdreg s5  }
0xaa: {  	[dreg:$0x4] =	wrdreg $0xC0  }
0xab: {  	_ =	task [dreg:s7], $0x5FFFF  }
0xac: {  	[dreg:$0x1] =	wrdreg $0xFFFFFFFF  }
0xad: {  	[dreg:$0x0] =	wrdreg $0x60  }
0xae: {  	[dreg:$0x2] =	wrdreg s24  }
0xaf: {  	[dreg:$0x3] =	wrdreg s2  }
0xb0: {  	[dreg:$0x4] =	wrdreg $0x87800  }
0xb1: {  	[dreg:$0x5] =	wrdreg $0x9  }
0xb2: {  	_ =	task.clear_ibuf [dreg:s7], $0x6FFFF;
	_ =	strace $0x90000046  }
0xb3: {  	s29 =	simm.s32 $0x9;
	_ =	strace $0x80000048  }
0xb4: {  	_ =	swait.ge [sflag:s29], $0x1  }
0xb5: {  	[sflag:s29] =	ssyncadd.s32 $0xFFFFFFFF  }
0xb6: {  	_ =	strace $0x90000048  }
0xb7: {  	_ =	sfence  }
0xb8: {  	s30 =	sld [smem:$0x0];
	_ =	sdelay $0x2  }
0xb9: {  	s31 =	sshll.u32 s1, $0xD;
	s1 =	sshrl.u32 s1, $0x2  }
0xba: {  	s3 =	sand.u32 $0x4000, s31;
	s1 =	sadd.s32 s1, s30  }
0xbb: {  	s0 =	sor.u32 s3, s0;
	s1 =	sshll.u32 s1, $0x11  }
0xbc: {  	s0 =	sor.u32 s1, s0  }
0xbd: {  	s0 =	sadd.s32 $0x8F2B, s0  }
0xbe: {  	[sflag:s0] =	ssyncadd.remote.s32 $0x1  }
0xbf: {  	_ =	sfence.sel $0xFFFF  }
0xc0: {  	[dreg:$0x0] =	wrdreg $0xFFFFFFFF;
	(pc) =	sbr.abs _section_cstart, $3  }
0xc1: {  	[dreg:$0x1] =	wrdreg $0xFFFFFFFF  }
0xc2: {  	_ =	task.clear_ibuf [dreg:s7], $0x2FFFF;
	_ =	strace $0x9FFFFFFF  }
0xc3: {  	(tm) =	ssettm $0x7FFFFFFF  }
tec
execute0_lowered:
.L_overlay_start_1:
0x0: {  	(tag) =	ssettag $0x1  }
0x1: {  	s0 =	rddreg [dreg:$0x0]  }
0x2: {  	s3 =	rddreg [dreg:$0x1]  }
0x3: {  	s1 =	rddreg [dreg:$0x2];
	s2 =	simm.s32 $0x0  }
0x4: {  	s4 =	srdreg.scid;
	s5 =	stileid.u32;
	s28 =	simm.s32 $0x2000  }
0x5: {  	s29 =	simm.s32 $0x3000;
	s30 =	simm.s32 $0x2;
	s31 =	simm.s32 $0x4000  }
0x6: {  	[smem:$0x7FF] =	sst s2;
	s4 =	sand.u32 $0x1, s4;
	s6 =	sshll.u32 s5, $0x1  }
0x7: {  	p0 =	sne.s32 s5, $0x0;
	p1 =	sgt.u32 s5, $0x9;
	s5 =	simm.s32 $0x0  }
0x8: {  	_ =	strace $0x80000047;
	s7 =	sshll.u32 s4, $0x4;
	s8 =	ssub.s32 $0x2, s4  }
0x9: {  	s4 =	sor.u32 s4, s6;
	s6 =	sadd.s32 s7, s0;
	s19 =	sshrl.u32 s8, $0x1  }
0xa: {  	s16 =	sshll.u32 s4, $0x9;
	p2 =	sne.s32 s4, $0x1F;
	s4 =	simm.s32 $0x6  }
0xb: {  	s7 =	ssub.s32 s8, s19;
	s20 =	sadd.s32 s0, s16;
	s21 =	sor.u32 $0x4000, s16  }
0xc: {  	s9 =	sadd.s32 s3, s16;
	s23 =	sor.u32 $0x8000, s16;
	s10 =	sor.u32 $0xC000, s16  }
0xd: {  	s12 =	sor.u32 $0x10000, s16;
	s14 =	sor.u32 $0x14000, s16;
	s17 =	sor.u32 $0x18000, s16  }
0xe: {  	s18 =	sor.u32 $0x1C000, s16;
	s19 =	sadd.s32 $0x1E800, s0;
	[dreg:$0x4] =	wrdreg s20  }
0xf: {  	[dreg:$0x5] =	wrdreg s9;
	s22 =	sadd.s32 s0, s21;
	s8 =	sadd.s32 s3, s21  }
0x10: {  	s24 =	sadd.s32 s0, s23;
	s25 =	sadd.s32 s3, s23;
	s26 =	sadd.s32 s0, s10  }
0x11: {  	s10 =	sadd.s32 s3, s10;
	s11 =	sadd.s32 s0, s12;
	s12 =	sadd.s32 s3, s12  }
0x12: {  	s13 =	sadd.s32 s0, s14;
	s14 =	sadd.s32 s3, s14;
	s15 =	sadd.s32 s0, s17  }
0x13: {  	s16 =	sadd.s32 s3, s17;
	s17 =	sadd.s32 s0, s18;
	[dreg:$0x6] =	wrdreg s22  }
.Ltmp0:
0x14: {  	s18 =	sadd.s32 s3, s18;
	[dreg:$0x7] =	wrdreg s8;
	(pc) =	sbr.rel .LBB2_1-.Ltmp0, $4  }
0x15: {  	s20 =	sadd.s32 $0x1E800, s3;
	s21 =	sadd.s32 $0x1EA00, s6;
	[dreg:$0x8] =	wrdreg s24  }
0x16: {  	s0 =	simm.s32 $0x5000;
	s23 =	simm.s32 $0x3;
	[dreg:$0x9] =	wrdreg s25  }
0x17: {  	s3 =	simm.s32 $0x5;
	[dreg:$0xa] =	wrdreg s26;
	s22 =	smax.u32 s7, $0x1  }
0x18: {  	v0 =	vimm.f32 $0.0e+00;
	s25 =	simm.s32 $0x1000;
	s26 =	simm.s32 $0x1;
	s24 =	simm.s32 $0x4  }
.LBB2_5:
0x19: {  	[bflag:$0x0] =	sbarrier.arrive $0xFFFF  }
0x1a: {  	s6 =	rddreg [dreg:$0x4]  }
0x1b: {  	[tilespmem:s2], [sflag:$0x1] =	stream.linear.gather [hbm4b:s6+s2], $0x1000, $0x38;
	[tilespmem:$0x89F8] =	vst v63  }
0x1c: {  	s7 =	rddreg [dreg:$0x5]  }
0x1d: {  	[tilespmem:s25], [sflag:$0x1] =	stream.linear.gather [hbm4b:s7+s2], $0x1000, $0x38;
	[tilespmem:$0x89F8] =	vst v63  }
0x1e: {  	_ =	swait.ge [sflag:s26], $0x1000  }
0x1f: {  	[sflag:s26] =	ssyncset.done $0x0  }
0x20: {  	[sflag:s26] =	ssyncadd.s32 $0xFFFFF000  }
0x21: {  	_ =	swait.ge [sflag:s26], $0x1000  }
0x22: {  	[sflag:s26] =	ssyncset.done $0x0  }
0x23: {  	s8 =	rddreg [dreg:$0x6];
	[sflag:s26] =	ssyncadd.s32 $0xFFFFF000  }
0x24: {  	[tilespmem:s28], [sflag:$0x2] =	stream.linear.gather [hbm4b:s8+s2], $0x1000, $0x38;
	[tilespmem:$0x89F8] =	vst v63  }
0x25: {  	s9 =	rddreg [dreg:$0x7]  }
0x26: {  	[tilespmem:s29], [sflag:$0x2] =	stream.linear.gather [hbm4b:s9+s2], $0x1000, $0x38;
	[tilespmem:$0x89F8] =	vst v63  }
0x27: {  	_ = 	snop  }
0x28: {  	[spmem:s1] =	stream.indirect.scatter.add.f32 [tilespmem:s2], [sflag:$0x4], $0x1, s25, s25, $0xb8;
	[tilespmem:$0x89F8] =	vst v63  }
0x29: {  	_ =	swait.ge [sflag:s30], $0x1000  }
0x2a: {  	[sflag:s30] =	ssyncset.done $0x0  }
0x2b: {  	[sflag:s30] =	ssyncadd.s32 $0xFFFFF000  }
0x2c: {  	_ =	swait.ge [sflag:s30], $0x1000  }
0x2d: {  	[sflag:s30] =	ssyncset.done $0x0  }
0x2e: {  	s7 =	rddreg [dreg:$0x8];
	[sflag:s30] =	ssyncadd.s32 $0xFFFFF000  }
0x2f: {  	[tilespmem:s31], [sflag:$0x3] =	stream.linear.gather [hbm4b:s7+s2], $0x1000, $0x38;
	[tilespmem:$0x89F8] =	vst v63  }
0x30: {  	s8 =	rddreg [dreg:$0x9]  }
0x31: {  	[tilespmem:s0], [sflag:$0x3] =	stream.linear.gather [hbm4b:s8+s2], $0x1000, $0x38;
	[tilespmem:$0x89F8] =	vst v63  }
0x32: {  	_ = 	snop  }
0x33: {  	[spmem:s1] =	stream.indirect.scatter.add.f32 [tilespmem:s28], [sflag:$0x5], $0x1, s29, s25, $0xb8;
	[tilespmem:$0x89F8] =	vst v63  }
0x34: {  	_ =	swait.ge [sflag:s23], $0x1000  }
0x35: {  	[sflag:s23] =	ssyncset.done $0x0  }
0x36: {  	[sflag:s23] =	ssyncadd.s32 $0xFFFFF000  }
0x37: {  	_ =	swait.ge [sflag:s23], $0x1000  }
0x38: {  	[sflag:s23] =	ssyncset.done $0x0  }
0x39: {  	[sflag:s23] =	ssyncadd.s32 $0xFFFFF000  }
0x3a: {  	_ =	swait.ge [sflag:s24], $0x1000  }
0x3b: {  	[sflag:s24] =	ssyncset.done $0x0  }
0x3c: {  	s9 =	rddreg [dreg:$0xa];
	[sflag:s24] =	ssyncadd.s32 $0xFFFFF000  }
0x3d: {  	[tilespmem:s2], [sflag:$0x1] =	stream.linear.gather [hbm4b:s9+s2], $0x1000, $0x38;
	[tilespmem:$0x89F8] =	vst v63  }
0x3e: {  	_ = 	snop  }
0x3f: {  	[tilespmem:s25], [sflag:$0x1] =	stream.linear.gather [hbm4b:s10+s2], $0x1000, $0x38;
	[tilespmem:$0x89F8] =	vst v63  }
0x40: {  	_ = 	snop  }
0x41: {  	[spmem:s1] =	stream.indirect.scatter.add.f32 [tilespmem:s31], [sflag:$0x6], $0x1, s0, s25, $0xb8;
	[tilespmem:$0x89F8] =	vst v63  }
0x42: {  	_ =	swait.ge [sflag:s26], $0x1000  }
0x43: {  	[sflag:s26] =	ssyncset.done $0x0  }
0x44: {  	[sflag:s26] =	ssyncadd.s32 $0xFFFFF000  }
0x45: {  	_ =	swait.ge [sflag:s26], $0x1000  }
0x46: {  	[sflag:s26] =	ssyncset.done $0x0  }
0x47: {  	[sflag:s26] =	ssyncadd.s32 $0xFFFFF000  }
0x48: {  	_ =	swait.ge [sflag:s3], $0x1000  }
0x49: {  	[sflag:s3] =	ssyncset.done $0x0  }
0x4a: {  	[sflag:s3] =	ssyncadd.s32 $0xFFFFF000  }
0x4b: {  	[tilespmem:s28], [sflag:$0x2] =	stream.linear.gather [hbm4b:s11+s2], $0x1000, $0x38;
	[tilespmem:$0x89F8] =	vst v63  }
0x4c: {  	_ = 	snop  }
0x4d: {  	[tilespmem:s29], [sflag:$0x2] =	stream.linear.gather [hbm4b:s12+s2], $0x1000, $0x38;
	[tilespmem:$0x89F8] =	vst v63  }
0x4e: {  	_ = 	snop  }
0x4f: {  	[spmem:s1] =	stream.indirect.scatter.add.f32 [tilespmem:s2], [sflag:$0x4], $0x1, s25, s25, $0xb8;
	[tilespmem:$0x89F8] =	vst v63  }
0x50: {  	_ =	swait.ge [sflag:s30], $0x1000  }
0x51: {  	[sflag:s30] =	ssyncset.done $0x0  }
0x52: {  	[sflag:s30] =	ssyncadd.s32 $0xFFFFF000  }
0x53: {  	_ =	swait.ge [sflag:s30], $0x1000  }
0x54: {  	[sflag:s30] =	ssyncset.done $0x0  }
0x55: {  	[sflag:s30] =	ssyncadd.s32 $0xFFFFF000  }
0x56: {  	_ =	swait.ge [sflag:s4], $0x1000  }
0x57: {  	[sflag:s4] =	ssyncset.done $0x0  }
0x58: {  	[sflag:s4] =	ssyncadd.s32 $0xFFFFF000  }
0x59: {  	[tilespmem:s31], [sflag:$0x3] =	stream.linear.gather [hbm4b:s13+s2], $0x1000, $0x38;
	[tilespmem:$0x89F8] =	vst v63  }
0x5a: {  	_ = 	snop  }
0x5b: {  	[tilespmem:s0], [sflag:$0x3] =	stream.linear.gather [hbm4b:s14+s2], $0x1000, $0x38;
	[tilespmem:$0x89F8] =	vst v63  }
0x5c: {  	_ = 	snop  }
0x5d: {  	[spmem:s1] =	stream.indirect.scatter.add.f32 [tilespmem:s28], [sflag:$0x5], $0x1, s29, s25, $0xb8;
	[tilespmem:$0x89F8] =	vst v63  }
0x5e: {  	_ =	swait.ge [sflag:s23], $0x1000  }
0x5f: {  	[sflag:s23] =	ssyncset.done $0x0  }
0x60: {  	[sflag:s23] =	ssyncadd.s32 $0xFFFFF000  }
0x61: {  	_ =	swait.ge [sflag:s23], $0x1000  }
0x62: {  	[sflag:s23] =	ssyncset.done $0x0  }
0x63: {  	[sflag:s23] =	ssyncadd.s32 $0xFFFFF000  }
0x64: {  	_ =	swait.ge [sflag:s24], $0x1000  }
0x65: {  	[sflag:s24] =	ssyncset.done $0x0  }
0x66: {  	[sflag:s24] =	ssyncadd.s32 $0xFFFFF000  }
0x67: {  	[tilespmem:s2], [sflag:$0x1] =	stream.linear.gather [hbm4b:s15+s2], $0x1000, $0x38;
	[tilespmem:$0x89F8] =	vst v63  }
0x68: {  	_ = 	snop  }
0x69: {  	[tilespmem:s25], [sflag:$0x1] =	stream.linear.gather [hbm4b:s16+s2], $0x1000, $0x38;
	[tilespmem:$0x89F8] =	vst v63  }
0x6a: {  	_ = 	snop  }
0x6b: {  	[spmem:s1] =	stream.indirect.scatter.add.f32 [tilespmem:s31], [sflag:$0x6], $0x1, s0, s25, $0xb8;
	[tilespmem:$0x89F8] =	vst v63  }
0x6c: {  	_ =	swait.ge [sflag:s26], $0x1000  }
0x6d: {  	[sflag:s26] =	ssyncset.done $0x0  }
0x6e: {  	[sflag:s26] =	ssyncadd.s32 $0xFFFFF000  }
0x6f: {  	_ =	swait.ge [sflag:s26], $0x1000  }
0x70: {  	[sflag:s26] =	ssyncset.done $0x0  }
0x71: {  	[sflag:s26] =	ssyncadd.s32 $0xFFFFF000  }
0x72: {  	_ =	swait.ge [sflag:s3], $0x1000  }
0x73: {  	[sflag:s3] =	ssyncset.done $0x0  }
0x74: {  	s6 =	simm.s32 @p1 $0x1000;
	s7 =	simm.s32 @p1 $0x0;
	[sflag:s3] =	ssyncadd.s32 $0xFFFFF000  }
0x75: {  	[spmem:s1] =	stream.indirect.scatter.add.f32 @p1 [tilespmem:s7], [sflag:$0x4], $0x1, s6, s6, $0xb8;
	[tilespmem:$0x89F8] =	vst v63  }
0x76: {  	s6 =	simm.s32 @!p1 $0x0;
	s7 =	simm.s32 @!p1 $0x2000  }
0x77: {  	[tilespmem:s7], [sflag:$0x2] =	stream.linear.gather @!p1 [hbm4b:s17+s6], $0x1000, $0x38;
	[tilespmem:$0x89F8] =	vst v63  }
0x78: {  	s8 =	simm.s32 @!p1 $0x3000  }
0x79: {  	[tilespmem:s8], [sflag:$0x2] =	stream.linear.gather @!p1 [hbm4b:s18+s6], $0x1000, $0x38;
	[tilespmem:$0x89F8] =	vst v63  }
0x7a: {  	s9 =	simm.s32 @!p1 $0x1000  }
0x7b: {  	[spmem:s1] =	stream.indirect.scatter.add.f32 @!p1 [tilespmem:s6], [sflag:$0x4], $0x1, s9, s9, $0xb8;
	[tilespmem:$0x89F8] =	vst v63  }
0x7c: {  	s6 =	simm.s32 @!p1 $0x2  }
0x7d: {  	_ =	swait.ge @!p1 [sflag:s6], $0x1000  }
0x7e: {  	[sflag:s6] =	ssyncset.done @!p1 $0x0  }
0x7f: {  	[sflag:s6] =	ssyncadd.s32 @!p1 $0xFFFFF000  }
0x80: {  	_ =	swait.ge @!p1 [sflag:s6], $0x1000  }
0x81: {  	[sflag:s6] =	ssyncset.done @!p1 $0x0  }
0x82: {  	[sflag:s6] =	ssyncadd.s32 @!p1 $0xFFFFF000;
	s6 =	simm.s32 @!p1 $0x6  }
0x83: {  	_ =	swait.ge @!p1 [sflag:s6], $0x1000  }
0x84: {  	[sflag:s6] =	ssyncset.done @!p1 $0x0  }
0x85: {  	[sflag:s6] =	ssyncadd.s32 @!p1 $0xFFFFF000;
	s6 =	simm.s32 @!p1 $0x4  }
0x86: {  	[spmem:s1] =	stream.indirect.scatter.add.f32 @!p1 [tilespmem:s7], [sflag:$0x5], $0x1, s8, s9, $0xb8;
	[tilespmem:$0x89F8] =	vst v63  }
0x87: {  	s6 =	simm.s32 @p1 $0x6  }
0x88: {  	_ =	swait.ge [sflag:s6], $0x1000  }
0x89: {  	s7 =	simm.s32 @!p1 $0x5;
	[sflag:s6] =	ssyncset.done $0x0  }
0x8a: {  	s7 =	simm.s32 @p1 $0x4;
	[sflag:s6] =	ssyncadd.s32 $0xFFFFF000  }
0x8b: {  	_ =	swait.ge [sflag:s7], $0x1000  }
0x8c: {  	[sflag:s7] =	ssyncset.done $0x0  }
0x8d: {  	s6 =	simm.s32 @!p2 $0x0;
	[sflag:s7] =	ssyncadd.s32 $0xFFFFF000;
	s7 =	simm.s32 @!p2 $0x7  }
0x8e: {  	[tilespmem:s6], [sflag:$0x7] =	stream.linear.gather @!p2 [hbm4b:s19+s6], $0x240, $0x38;
	[tilespmem:$0x89F8] =	vst v63  }
0x8f: {  	_ =	swait.ge @!p2 [sflag:s7], $0x240  }
0x90: {  	[sflag:s7] =	ssyncset.done @!p2 $0x0  }
0x91: {  	s8 =	simm.s32 @!p2 $0x1000;
	[sflag:s7] =	ssyncadd.s32 @!p2 $0xFFFFFDC0  }
0x92: {  	[tilespmem:s8], [sflag:$0x7] =	stream.linear.gather @!p2 [hbm4b:s20+s6], $0x240, $0x38;
	[tilespmem:$0x89F8] =	vst v63  }
0x93: {  	_ =	swait.ge @!p2 [sflag:s7], $0x240  }
0x94: {  	[sflag:s7] =	ssyncset.done @!p2 $0x0  }
0x95: {  	s9 =	simm.s32 @!p2 $0x240;
	[sflag:s7] =	ssyncadd.s32 @!p2 $0xFFFFFDC0  }
0x96: {  	[spmem:s1] =	stream.indirect.scatter.add.f32 @!p2 [tilespmem:s6], [sflag:$0x7], $0x1, s8, s9, $0xb8;
	[tilespmem:$0x89F8] =	vst v63  }
0x97: {  	_ =	swait.ge @!p2 [sflag:s7], $0x240  }
0x98: {  	[sflag:s7] =	ssyncset.done @!p2 $0x0  }
0x99: {  	[sflag:s7] =	ssyncadd.s32 @!p2 $0xFFFFFDC0  }
0x9a: {  	s6 =	simm.s32 @!p0 $0x6000;
	s7 =	simm.s32 @!p0 $0x7;
	[bflag:$0x0] =	sbarrier.arrive $0xFFFF  }
0x9b: {  	[tilespmem:s6], [sflag:$0x7] =	stream.linear.gather @!p0 [spmem:s1], $0x2780, $0x38;
	[tilespmem:$0x89F8] =	vst v63  }
0x9c: {  	s5 =	sadd.s32 $0x1, s5;
	_ =	swait.ge @!p0 [sflag:s7], $0x2780  }
0x9d: {  	p3 =	sne.s32 s5, s22;
	s8 =	simm.s32 @!p0 $0x80;
	[sflag:s7] =	ssyncset.done @!p0 $0x0  }
.Ltmp1:
0x9e: {  	s9 =	simm.s32 @!p0 $0x100;
	[sflag:s7] =	ssyncadd.s32 @!p0 $0xFFFFD880;
	(pc) =	sbr.rel @!p3 .LBB2_6-.Ltmp1, $4  }
0x9f: {  	[hbm4b:s21+s8] =	stream.strided.scatter @!p0 [tilespmem:s6], [sflag:$0x7], $0x2780, s9, s8, $0x38;
	[tilespmem:$0x89F8] =	vst v63  }
0xa0: {  	_ =	swait.ge @!p0 [sflag:s7], $0x2780  }
0xa1: {  	[sflag:s7] =	ssyncset.done @!p0 $0x0  }
0xa2: {  	[sflag:s7] =	ssyncadd.s32 @!p0 $0xFFFFD880  }
.LBB2_1:
.Ltmp2:
0xa3: {  	(pc) =	sbr.rel @p0 .LBB2_5-.Ltmp2, $1  }
0xa4: {  	_ =	sdelay $0x3  }
0xa5: {  	s6 =	simm.s32 $0x40;
	s7 =	simm.s32 $0x0  }
.LBB2_3:
0xa6: {  	p3 =	sne.s32 s6, $0x9C00;
	[tilespmem:s7+$0x6000] =	vst v0;
	s7 =	smov.u32 s6;
	s6 =	sadd.s32 $0x40, s6  }
.Ltmp3:
0xa7: {  	(pc) =	sbr.rel @p3 .LBB2_3-.Ltmp3, $2  }
0xa8: {  	_ =	sdelay $0x2  }
0xa9: {  	s7 =	sshra.s32 s7, $0x2  }
.Ltmp4:
0xaa: {  	[tilespmem:s7+$0x6000] =	vst v0;
	s6 =	simm.s32 $0x6000;
	s9 =	simm.s32 $0x7;
	(pc) =	sbr.rel .LBB2_5-.Ltmp4, $4  }
0xab: {  	[spmem:s1] =	stream.linear.scatter [tilespmem:s6], [sflag:$0x7], $0x2780, $0x38;
	[tilespmem:$0x89F8] =	vst v63  }
0xac: {  	_ =	swait.ge [sflag:s9], $0x2780  }
0xad: {  	[sflag:s9] =	ssyncset.done $0x0  }
0xae: {  	[sflag:s9] =	ssyncadd.s32 $0xFFFFD880  }
.LBB2_6:
0xaf: {  	_ =	sfence.sel $0x180000  }
0xb0: {  	[bflag:$0x0] =	sbarrier.arrive $0xFFFF  }
0xb1: {  	_ =	strace $0x90000047  }
0xb2: {  	[bflag:$0x2] =	sbarrier.arrive $0xFFFF  }
0xb3: {  	s0 =	rddreg [dreg:$0x3]  }
0xb4: {  	s0 =	sadd.s32 @!p0 $0x100000, s0  }
0xb5: {  	[sflag:s0] =	ssyncadd.tile.s32 @!p0 $0x1;
	_ =	shalt  }
.Lfunc_end2:
_tile_overlayer_lowered:
.L_overlay_start_2:
0xb6: {  	(tag) =	ssettag $0x2  }
0xb7: {  	s0 =	rddreg [dreg:$0x0];
	s2 =	stileid.u32  }
0xb8: {  	s1 =	rddreg [dreg:$0x1];
	p0 =	sne.s32 s2, $0x0  }
0xb9: {  	s3 =	rddreg [dreg:$0x2];
	[bflag:$0x3] =	sbarrier.arrive $0xFFFF;
	s2 =	simm.s32 @!p0 $0x1C07  }
0xba: {  	[timem:s3], [sflag:s2] =	dma.local @!p0 [hbm:s0], s1  }
0xbb: {  	s0 =	simm.s32 @!p0 $0x7  }
0xbc: {  	_ =	swait.ge @!p0 [sflag:s0], s1  }
0xbd: {  	s1 =	ssub.s32 @!p0 $0x0, s1;
	[sflag:s0] =	ssyncset.done @!p0 $0x0  }
0xbe: {  	[sflag:s0] =	ssyncadd.s32 @!p0 s1  }
0xbf: {  	[bflag:$0x3] =	sbarrier.arrive $0xFFFF  }
0xc0: {  	_ =	shalt  }

</sc_bundles>
